<compile_context>
chip_gen: v7x
topology: tpu7x:2x2x1
jax: 0.10.2.dev20260603
libtpu: 0.0.44.dev20260713+nightly
codegen_flags: <defaults>
</compile_context>

<pallas_src>
import functools

import jax
import jax.numpy as jnp
from jax import lax
from jax.experimental import pallas as pl
from jax.experimental.pallas import tpu as pltpu
from jax.experimental.pallas import tpu_sc as plsc

_MASK_THR = 0.45
_SIGMA = 2.0


def _sweep_body(T, nb, n, ma_ref, mb_ref, sa_ref, sb_ref, la_ref, lb_ref,
                m_ref, c_scr):
    b = pl.program_id(0)
    a = pl.program_id(1)

    @pl.when(a == 0)
    def _():
        m_ref[...] = jnp.zeros_like(m_ref)
        c_scr[:, pl.ds(b * T, T)] = jnp.zeros((1, T), jnp.float32)

    def tile(tri, edge):
        inter = lax.dot_general(ma_ref[...], mb_ref[...],
                                (((1,), (1,)), ((), ())),
                                preferred_element_type=jnp.float32)
        sa = sa_ref[0, 0, :]
        sb = sb_ref[0, 0, :]
        iou = inter / (sa[:, None] + sb[None, :] - inter)
        valid = la_ref[0, 0, :][:, None] == lb_ref[0, 0, :][None, :]
        if tri or edge:
            rj = lax.broadcasted_iota(jnp.int32, inter.shape, 1)
        if tri:
            ri = lax.broadcasted_iota(jnp.int32, inter.shape, 0)
            valid &= ri < rj
        if edge:
            valid &= (b * T + rj) < n
        d = jnp.where(valid, iou, 0.0)
        csl = c_scr[:, pl.ds(b * T, T)]
        csl = jnp.maximum(csl, jnp.max(d, axis=0)[None, :])
        c_scr[:, pl.ds(b * T, T)] = csl
        ca = c_scr[0, pl.ds(a * T, T)]
        term = d * d - (ca * ca)[:, None]
        m_ref[0, 0, :] = jnp.maximum(m_ref[0, 0, :], jnp.max(term, axis=0))

    edge_col = nb * T > n

    @pl.when(a < b)
    def _():
        if edge_col:
            @pl.when(b < nb - 1)
            def _():
                tile(False, False)

            @pl.when(b == nb - 1)
            def _():
                tile(False, True)
        else:
            tile(False, False)

    @pl.when(a == b)
    def _():
        if edge_col:
            @pl.when(b < nb - 1)
            def _():
                tile(True, False)

            @pl.when(b == nb - 1)
            def _():
                tile(True, True)
        else:
            tile(True, False)

    @pl.when(a == nb - 1)
    def _():
        m_ref[...] = jnp.exp(-_SIGMA * m_ref[...])


def _to_bf16_body(x_ref, o_ref):
    o_ref[...] = x_ref[...].astype(jnp.bfloat16)


def _to_bf16(x, T):
    n, hw = x.shape
    nb = (n + T - 1) // T
    return pl.pallas_call(
        _to_bf16_body,
        grid=(nb,),
        in_specs=[pl.BlockSpec((T, hw), lambda i: (i, 0))],
        out_specs=pl.BlockSpec((T, hw), lambda i: (i, 0)),
        out_shape=jax.ShapeDtypeStruct((n, hw), jnp.bfloat16),
    )(x)


def _sc_gather_rows(table, idx):
    n, hw = table.shape
    info = plsc.get_sparse_core_info()
    nw = info.num_cores * info.num_subcores
    ch = 40
    b_per_w = ((n + nw - 1) // nw + ch - 1) // ch * ch
    mesh = plsc.VectorSubcoreMesh(core_axis_name="c", subcore_axis_name="s")

    @functools.partial(
        pl.kernel, mesh=mesh,
        out_type=jax.ShapeDtypeStruct((n, hw), jnp.float32),
        scratch_types=[
            pltpu.VMEM((ch,), jnp.int32),
            pltpu.VMEM((ch, hw), jnp.float32),
            pltpu.SemaphoreType.DMA,
        ],
    )
    def k(table_hbm, idx_hbm, out_hbm, idx_v, rows_v, sem):
        wid = lax.axis_index("s") * info.num_cores + lax.axis_index("c")
        base = wid * b_per_w
        for t in range(b_per_w // ch):
            start = base + t * ch

            @pl.when(start < n)
            def _():
                pltpu.sync_copy(idx_hbm.at[pl.ds(start, ch)], idx_v)
                pltpu.async_copy(table_hbm.at[idx_v], rows_v, sem).wait()
                pltpu.sync_copy(rows_v, out_hbm.at[pl.ds(start, ch)])

    return k(table, idx)


def _nms_core(masks, sums, labels, T):
    n, hw = masks.shape
    nb = (n + T - 1) // T
    P = nb * T
    grid = (nb, nb)
    sums3 = sums.reshape(nb, 1, T)
    labels3 = labels.reshape(nb, 1, T)
    mspec_a = pl.BlockSpec((T, hw), lambda b, a: (jnp.minimum(a, b), 0))
    mspec_b = pl.BlockSpec((T, hw), lambda b, a: (b, 0))
    vspec_a = pl.BlockSpec((1, 1, T), lambda b, a: (jnp.minimum(a, b), 0, 0))
    vspec_b = pl.BlockSpec((1, 1, T), lambda b, a: (b, 0, 0))
    params = pltpu.CompilerParams(dimension_semantics=("arbitrary", "arbitrary"))
    coeff = pl.pallas_call(
        functools.partial(_sweep_body, T, nb, n),
        grid=grid,
        in_specs=[mspec_a, mspec_b, vspec_a, vspec_b, vspec_a, vspec_b],
        out_specs=pl.BlockSpec((1, 1, T), lambda b, a: (b, 0, 0)),
        out_shape=jax.ShapeDtypeStruct((nb, 1, T), jnp.float32),
        scratch_shapes=[pltpu.VMEM((1, P), jnp.float32)],
        compiler_params=params,
    )(masks, masks, sums3, sums3, labels3, labels3)
    return coeff.reshape(P)


def kernel(seg_preds, cate_scores, cate_labels):
    n, h, w = seg_preds.shape
    hw = h * w
    seg_masks_b = seg_preds > _MASK_THR
    seg_masks_f = seg_masks_b.astype(jnp.float32)
    sum_masks = seg_masks_f.reshape(n, -1).sum(axis=1)
    seg_scores = (seg_preds * seg_masks_f).reshape(n, -1).sum(axis=1) / sum_masks
    cs = cate_scores * seg_scores
    neg_s, sort_inds, sums_s, labels_s = lax.sort(
        (-cs, lax.iota(jnp.int32, n), sum_masks, cate_labels),
        num_keys=1, is_stable=True)
    cs_s = -neg_s

    T = 640
    P = ((n + T - 1) // T) * T
    pad = P - n

    seg_preds_s = _sc_gather_rows(seg_preds.reshape(n, hw),
                                  sort_inds).reshape(n, h, w)
    masks_b_s = jnp.take(seg_masks_b, sort_inds, axis=0)
    masks_s = masks_b_s.reshape(n, hw).astype(jnp.bfloat16)
    sums_p = jnp.pad(sums_s, (0, pad), constant_values=1.0)
    labels_p = jnp.pad(labels_s, (0, pad), constant_values=-1)
    coeff = _nms_core(masks_s, sums_p, labels_p, T)
    return (seg_preds_s,
            cs_s * coeff[:n],
            labels_s)

# --- scband reference (transcript-rebuilt; emitter-appended) ---
"""Pipeline reference for scband-sparse-inst-71116068487986 (READ-ONLY COPY).

The authoritative reference and input builder live on the scoring server;
editing this copy changes nothing except your own understanding.
"""

import jax, jax.numpy as jnp
import numpy as np

N = 5000
H = 32
W = 32
MASK_THR = 0.45
SIGMA = 2.0


def setup_inputs(seed: int = 0) -> dict:
    key = jax.random.key(seed)
    k1, k2, k3 = jax.random.split(key, 3)
    seg_preds = jax.random.uniform(k1, (N, H, W), dtype=jnp.float32)
    cate_scores = jax.random.uniform(k2, (N,), dtype=jnp.float32)
    cate_labels = jax.random.randint(k3, (N,), 0, 80, dtype=jnp.int32)
    return {"seg_preds": seg_preds, "cate_scores": cate_scores, "cate_labels": cate_labels}


def reference(seg_preds, cate_scores, cate_labels):
    n = seg_preds.shape[0]
    # get_nms_result: binarize masks, mask-quality rescoring
    seg_masks_b = seg_preds > MASK_THR
    seg_masks_f = seg_masks_b.astype(jnp.float32)
    sum_masks = seg_masks_f.reshape(n, -1).sum(axis=1)
    seg_scores = (seg_preds * seg_masks_f).reshape(n, -1).sum(axis=1) / sum_masks
    cate_scores = cate_scores * seg_scores
    # sort by score descending (torch.argsort(..., descending=True))
    sort_inds = jnp.argsort(-cate_scores)
    seg_preds_s = seg_preds[sort_inds]
    seg_masks_s = seg_masks_f[sort_inds].reshape(n, -1)
    sum_masks_s = sum_masks[sort_inds]
    cate_scores_s = cate_scores[sort_inds]
    cate_labels_s = cate_labels[sort_inds]
    # matrix_nms (gaussian kernel)
    inter_matrix = seg_masks_s @ seg_masks_s.T
    sum_masks_x = jnp.broadcast_to(sum_masks_s[None, :], (n, n))
    iou_matrix = jnp.triu(inter_matrix / (sum_masks_x + sum_masks_x.T - inter_matrix), k=1)
    cate_labels_x = jnp.broadcast_to(cate_labels_s[None, :], (n, n))
    label_matrix = jnp.triu((cate_labels_x == cate_labels_x.T).astype(jnp.float32), k=1)
    compensate_iou = jnp.max(iou_matrix * label_matrix, axis=0)
    compensate_iou = jnp.broadcast_to(compensate_iou[None, :], (n, n)).T
    delay_iou = iou_matrix * label_matrix
    delay_matrix = jnp.exp(-SIGMA * delay_iou ** 2)
    compensate_matrix = jnp.exp(-SIGMA * compensate_iou ** 2)
    delay_coefficient = jnp.min(delay_matrix / compensate_matrix, axis=0)
    cate_scores_update = cate_scores_s * delay_coefficient
    return (seg_preds_s, cate_scores_update, cate_labels_s)

if __name__ == "__main__":
    import jax
    _d = setup_inputs()
    print(jax.jit(kernel)(*tuple(_d.values())))

</pallas_src>

<mosaic_0001>
#map = affine_map<(d0, d1) -> (0, 0)>
#map1 = affine_map<(d0, d1) -> (0)>
module attributes {stable_mosaic.version = 14 : i64} {
  func.func @k(%arg0: i32, %arg1: i32, %arg2: memref<5000x1024xf32, #tpu.memory_space<hbm>>, %arg3: memref<5000xi32, #tpu.memory_space<hbm>>, %arg4: memref<5000x1024xf32, #tpu.memory_space<hbm>>, %arg5: memref<40xi32, #tpu.memory_space<vmem>>, %arg6: memref<40x1024xf32, #tpu.memory_space<vmem>>, %arg7: memref<!tpu.dma_semaphore, #tpu.memory_space<semaphore_mem>>) attributes {dimension_semantics = [#tpu.dimension_semantics<core_parallel>, #tpu.dimension_semantics<subcore_parallel>], iteration_bounds = array<i64: 2, 16>, scalar_prefetch = 0 : i64, scratch_operands = 3 : i64, tpu.core_type = #tpu.core_type<sc_vector_subcore>, window_params = [{transform_indices = #map}, {transform_indices = #map1}, {transform_indices = #map}]} {
    %mul3A = arith.constant 2 : i32
    %mul3A_0 = arith.muli %arg1, %mul3A : i32
    %add3A = arith.addi %mul3A_0, %arg0 : i32
    %mul3A_1 = arith.constant 160 : i32
    %mul3A_2 = arith.muli %add3A, %mul3A_1 : i32
    %add3A_3 = arith.constant 0 : i32
    %add3A_4 = arith.addi %mul3A_2, %add3A_3 : i32
    %lt3A = arith.constant 5000 : i32
    %lt3A_5 = arith.cmpi slt, %add3A_4, %lt3A : i32
    %convert_element_type3A = arith.extui %lt3A_5 : i1 to i32
    %cond3A = arith.constant 0 : i32
    %cond3A_6 = arith.cmpi ne, %convert_element_type3A, %cond3A : i32
    scf.if %cond3A_6 {
      "tpu.region"() ({
        %run_scoped3A = tpu.sem_alloc : memref<!tpu.dma_semaphore, #tpu.memory_space<semaphore_mem>>
        %dma_start3A_32 = tpu.memref_slice %arg3[%add3A_4] : memref<5000xi32, #tpu.memory_space<hbm>> -> memref<40xi32, #tpu.memory_space<hbm>>
        %dma_start3A_33 = tpu.memref_slice %arg3[%add3A_4] : memref<5000xi32, #tpu.memory_space<hbm>> -> memref<40xi32, #tpu.memory_space<hbm>>
        tpu.enqueue_dma source(%dma_start3A_33 : memref<40xi32, #tpu.memory_space<hbm>>) target(%arg5 : memref<40xi32, #tpu.memory_space<vmem>>) target_semaphore(%run_scoped3A : memref<!tpu.dma_semaphore, #tpu.memory_space<semaphore_mem>>)
        %dma_wait3A_34 = tpu.memref_slice %arg3[%add3A_4] : memref<5000xi32, #tpu.memory_space<hbm>> -> memref<40xi32, #tpu.memory_space<hbm>>
        %dma_wait3A_35 = tpu.memref_slice %arg3[%add3A_4] : memref<5000xi32, #tpu.memory_space<hbm>> -> memref<40xi32, #tpu.memory_space<hbm>>
        tpu.wait_dma2 semaphore(%run_scoped3A : memref<!tpu.dma_semaphore, #tpu.memory_space<semaphore_mem>>) src(%dma_wait3A_35 : memref<40xi32, #tpu.memory_space<hbm>>) dst(%arg5 : memref<40xi32, #tpu.memory_space<vmem>>)
        tpu.yield
      }) : () -> ()
      %dma_start3A = arith.constant 0 : i32
      %dma_start3A_28 = arith.constant 0 : i32
      %dma_start3A_29 = tpu.memref_slice %arg2[%dma_start3A, %dma_start3A_28] : memref<5000x1024xf32, #tpu.memory_space<hbm>> -> memref<5000x1024xf32, #tpu.memory_space<hbm>>
      tpu.enqueue_indirect_dma source(%dma_start3A_29 : memref<5000x1024xf32, #tpu.memory_space<hbm>>) target(%arg6 : memref<40x1024xf32, #tpu.memory_space<vmem>>) offsets(%arg5 : memref<40xi32, #tpu.memory_space<vmem>>) semaphore(%arg7 : memref<!tpu.dma_semaphore, #tpu.memory_space<semaphore_mem>>)
      %dma_wait3A = arith.constant 0 : i32
      %dma_wait3A_30 = arith.constant 0 : i32
      %dma_wait3A_31 = tpu.memref_slice %arg2[%dma_wait3A, %dma_wait3A_30] : memref<5000x1024xf32, #tpu.memory_space<hbm>> -> memref<5000x1024xf32, #tpu.memory_space<hbm>>
      tpu.wait_indirect_dma semaphore(%arg7 : memref<!tpu.dma_semaphore, #tpu.memory_space<semaphore_mem>>) src(%dma_wait3A_31 : memref<5000x1024xf32, #tpu.memory_space<hbm>>) dst(%arg6 : memref<40x1024xf32, #tpu.memory_space<vmem>>)
      "tpu.region"() ({
        %run_scoped3A = tpu.sem_alloc : memref<!tpu.dma_semaphore, #tpu.memory_space<semaphore_mem>>
        %dma_start3A_32 = arith.constant 0 : i32
        %dma_start3A_33 = tpu.memref_slice %arg4[%add3A_4, %dma_start3A_32] : memref<5000x1024xf32, #tpu.memory_space<hbm>> -> memref<40x1024xf32, #tpu.memory_space<hbm>>
        %dma_start3A_34 = arith.constant 0 : i32
        %dma_start3A_35 = tpu.memref_slice %arg4[%add3A_4, %dma_start3A_34] : memref<5000x1024xf32, #tpu.memory_space<hbm>> -> memref<40x1024xf32, #tpu.memory_space<hbm>>
        tpu.enqueue_dma source(%arg6 : memref<40x1024xf32, #tpu.memory_space<vmem>>) target(%dma_start3A_35 : memref<40x1024xf32, #tpu.memory_space<hbm>>) target_semaphore(%run_scoped3A : memref<!tpu.dma_semaphore, #tpu.memory_space<semaphore_mem>>)
        %dma_wait3A_36 = arith.constant 0 : i32
        %dma_wait3A_37 = tpu.memref_slice %arg4[%add3A_4, %dma_wait3A_36] : memref<5000x1024xf32, #tpu.memory_space<hbm>> -> memref<40x1024xf32, #tpu.memory_space<hbm>>
        %dma_wait3A_38 = arith.constant 0 : i32
        %dma_wait3A_39 = tpu.memref_slice %arg4[%add3A_4, %dma_wait3A_38] : memref<5000x1024xf32, #tpu.memory_space<hbm>> -> memref<40x1024xf32, #tpu.memory_space<hbm>>
        tpu.wait_dma2 semaphore(%run_scoped3A : memref<!tpu.dma_semaphore, #tpu.memory_space<semaphore_mem>>) src(%arg6 : memref<40x1024xf32, #tpu.memory_space<vmem>>) dst(%dma_wait3A_39 : memref<40x1024xf32, #tpu.memory_space<hbm>>)
        tpu.yield
      }) : () -> ()
    } else {
    }
    %add3A_7 = arith.constant 40 : i32
    %add3A_8 = arith.addi %mul3A_2, %add3A_7 : i32
    %lt3A_9 = arith.constant 5000 : i32
    %lt3A_10 = arith.cmpi slt, %add3A_8, %lt3A_9 : i32
    %convert_element_type3A_11 = arith.extui %lt3A_10 : i1 to i32
    %cond3A_12 = arith.constant 0 : i32
    %cond3A_13 = arith.cmpi ne, %convert_element_type3A_11, %cond3A_12 : i32
    scf.if %cond3A_13 {
      "tpu.region"() ({
        %run_scoped3A = tpu.sem_alloc : memref<!tpu.dma_semaphore, #tpu.memory_space<semaphore_mem>>
        %dma_start3A_32 = tpu.memref_slice %arg3[%add3A_8] : memref<5000xi32, #tpu.memory_space<hbm>> -> memref<40xi32, #tpu.memory_space<hbm>>
        %dma_start3A_33 = tpu.memref_slice %arg3[%add3A_8] : memref<5000xi32, #tpu.memory_space<hbm>> -> memref<40xi32, #tpu.memory_space<hbm>>
        tpu.enqueue_dma source(%dma_start3A_33 : memref<40xi32, #tpu.memory_space<hbm>>) target(%arg5 : memref<40xi32, #tpu.memory_space<vmem>>) target_semaphore(%run_scoped3A : memref<!tpu.dma_semaphore, #tpu.memory_space<semaphore_mem>>)
        %dma_wait3A_34 = tpu.memref_slice %arg3[%add3A_8] : memref<5000xi32, #tpu.memory_space<hbm>> -> memref<40xi32, #tpu.memory_space<hbm>>
        %dma_wait3A_35 = tpu.memref_slice %arg3[%add3A_8] : memref<5000xi32, #tpu.memory_space<hbm>> -> memref<40xi32, #tpu.memory_space<hbm>>
        tpu.wait_dma2 semaphore(%run_scoped3A : memref<!tpu.dma_semaphore, #tpu.memory_space<semaphore_mem>>) src(%dma_wait3A_35 : memref<40xi32, #tpu.memory_space<hbm>>) dst(%arg5 : memref<40xi32, #tpu.memory_space<vmem>>)
        tpu.yield
      }) : () -> ()
      %dma_start3A = arith.constant 0 : i32
      %dma_start3A_28 = arith.constant 0 : i32
      %dma_start3A_29 = tpu.memref_slice %arg2[%dma_start3A, %dma_start3A_28] : memref<5000x1024xf32, #tpu.memory_space<hbm>> -> memref<5000x1024xf32, #tpu.memory_space<hbm>>
      tpu.enqueue_indirect_dma source(%dma_start3A_29 : memref<5000x1024xf32, #tpu.memory_space<hbm>>) target(%arg6 : memref<40x1024xf32, #tpu.memory_space<vmem>>) offsets(%arg5 : memref<40xi32, #tpu.memory_space<vmem>>) semaphore(%arg7 : memref<!tpu.dma_semaphore, #tpu.memory_space<semaphore_mem>>)
      %dma_wait3A = arith.constant 0 : i32
      %dma_wait3A_30 = arith.constant 0 : i32
      %dma_wait3A_31 = tpu.memref_slice %arg2[%dma_wait3A, %dma_wait3A_30] : memref<5000x1024xf32, #tpu.memory_space<hbm>> -> memref<5000x1024xf32, #tpu.memory_space<hbm>>
      tpu.wait_indirect_dma semaphore(%arg7 : memref<!tpu.dma_semaphore, #tpu.memory_space<semaphore_mem>>) src(%dma_wait3A_31 : memref<5000x1024xf32, #tpu.memory_space<hbm>>) dst(%arg6 : memref<40x1024xf32, #tpu.memory_space<vmem>>)
      "tpu.region"() ({
        %run_scoped3A = tpu.sem_alloc : memref<!tpu.dma_semaphore, #tpu.memory_space<semaphore_mem>>
        %dma_start3A_32 = arith.constant 0 : i32
        %dma_start3A_33 = tpu.memref_slice %arg4[%add3A_8, %dma_start3A_32] : memref<5000x1024xf32, #tpu.memory_space<hbm>> -> memref<40x1024xf32, #tpu.memory_space<hbm>>
        %dma_start3A_34 = arith.constant 0 : i32
        %dma_start3A_35 = tpu.memref_slice %arg4[%add3A_8, %dma_start3A_34] : memref<5000x1024xf32, #tpu.memory_space<hbm>> -> memref<40x1024xf32, #tpu.memory_space<hbm>>
        tpu.enqueue_dma source(%arg6 : memref<40x1024xf32, #tpu.memory_space<vmem>>) target(%dma_start3A_35 : memref<40x1024xf32, #tpu.memory_space<hbm>>) target_semaphore(%run_scoped3A : memref<!tpu.dma_semaphore, #tpu.memory_space<semaphore_mem>>)
        %dma_wait3A_36 = arith.constant 0 : i32
        %dma_wait3A_37 = tpu.memref_slice %arg4[%add3A_8, %dma_wait3A_36] : memref<5000x1024xf32, #tpu.memory_space<hbm>> -> memref<40x1024xf32, #tpu.memory_space<hbm>>
        %dma_wait3A_38 = arith.constant 0 : i32
        %dma_wait3A_39 = tpu.memref_slice %arg4[%add3A_8, %dma_wait3A_38] : memref<5000x1024xf32, #tpu.memory_space<hbm>> -> memref<40x1024xf32, #tpu.memory_space<hbm>>
        tpu.wait_dma2 semaphore(%run_scoped3A : memref<!tpu.dma_semaphore, #tpu.memory_space<semaphore_mem>>) src(%arg6 : memref<40x1024xf32, #tpu.memory_space<vmem>>) dst(%dma_wait3A_39 : memref<40x1024xf32, #tpu.memory_space<hbm>>)
        tpu.yield
      }) : () -> ()
    } else {
    }
    %add3A_14 = arith.constant 80 : i32
    %add3A_15 = arith.addi %mul3A_2, %add3A_14 : i32
    %lt3A_16 = arith.constant 5000 : i32
    %lt3A_17 = arith.cmpi slt, %add3A_15, %lt3A_16 : i32
    %convert_element_type3A_18 = arith.extui %lt3A_17 : i1 to i32
    %cond3A_19 = arith.constant 0 : i32
    %cond3A_20 = arith.cmpi ne, %convert_element_type3A_18, %cond3A_19 : i32
    scf.if %cond3A_20 {
      "tpu.region"() ({
        %run_scoped3A = tpu.sem_alloc : memref<!tpu.dma_semaphore, #tpu.memory_space<semaphore_mem>>
        %dma_start3A_32 = tpu.memref_slice %arg3[%add3A_15] : memref<5000xi32, #tpu.memory_space<hbm>> -> memref<40xi32, #tpu.memory_space<hbm>>
        %dma_start3A_33 = tpu.memref_slice %arg3[%add3A_15] : memref<5000xi32, #tpu.memory_space<hbm>> -> memref<40xi32, #tpu.memory_space<hbm>>
        tpu.enqueue_dma source(%dma_start3A_33 : memref<40xi32, #tpu.memory_space<hbm>>) target(%arg5 : memref<40xi32, #tpu.memory_space<vmem>>) target_semaphore(%run_scoped3A : memref<!tpu.dma_semaphore, #tpu.memory_space<semaphore_mem>>)
        %dma_wait3A_34 = tpu.memref_slice %arg3[%add3A_15] : memref<5000xi32, #tpu.memory_space<hbm>> -> memref<40xi32, #tpu.memory_space<hbm>>
        %dma_wait3A_35 = tpu.memref_slice %arg3[%add3A_15] : memref<5000xi32, #tpu.memory_space<hbm>> -> memref<40xi32, #tpu.memory_space<hbm>>
        tpu.wait_dma2 semaphore(%run_scoped3A : memref<!tpu.dma_semaphore, #tpu.memory_space<semaphore_mem>>) src(%dma_wait3A_35 : memref<40xi32, #tpu.memory_space<hbm>>) dst(%arg5 : memref<40xi32, #tpu.memory_space<vmem>>)
        tpu.yield
      }) : () -> ()
      %dma_start3A = arith.constant 0 : i32
      %dma_start3A_28 = arith.constant 0 : i32
      %dma_start3A_29 = tpu.memref_slice %arg2[%dma_start3A, %dma_start3A_28] : memref<5000x1024xf32, #tpu.memory_space<hbm>> -> memref<5000x1024xf32, #tpu.memory_space<hbm>>
      tpu.enqueue_indirect_dma source(%dma_start3A_29 : memref<5000x1024xf32, #tpu.memory_space<hbm>>) target(%arg6 : memref<40x1024xf32, #tpu.memory_space<vmem>>) offsets(%arg5 : memref<40xi32, #tpu.memory_space<vmem>>) semaphore(%arg7 : memref<!tpu.dma_semaphore, #tpu.memory_space<semaphore_mem>>)
      %dma_wait3A = arith.constant 0 : i32
      %dma_wait3A_30 = arith.constant 0 : i32
      %dma_wait3A_31 = tpu.memref_slice %arg2[%dma_wait3A, %dma_wait3A_30] : memref<5000x1024xf32, #tpu.memory_space<hbm>> -> memref<5000x1024xf32, #tpu.memory_space<hbm>>
      tpu.wait_indirect_dma semaphore(%arg7 : memref<!tpu.dma_semaphore, #tpu.memory_space<semaphore_mem>>) src(%dma_wait3A_31 : memref<5000x1024xf32, #tpu.memory_space<hbm>>) dst(%arg6 : memref<40x1024xf32, #tpu.memory_space<vmem>>)
      "tpu.region"() ({
        %run_scoped3A = tpu.sem_alloc : memref<!tpu.dma_semaphore, #tpu.memory_space<semaphore_mem>>
        %dma_start3A_32 = arith.constant 0 : i32
        %dma_start3A_33 = tpu.memref_slice %arg4[%add3A_15, %dma_start3A_32] : memref<5000x1024xf32, #tpu.memory_space<hbm>> -> memref<40x1024xf32, #tpu.memory_space<hbm>>
        %dma_start3A_34 = arith.constant 0 : i32
        %dma_start3A_35 = tpu.memref_slice %arg4[%add3A_15, %dma_start3A_34] : memref<5000x1024xf32, #tpu.memory_space<hbm>> -> memref<40x1024xf32, #tpu.memory_space<hbm>>
        tpu.enqueue_dma source(%arg6 : memref<40x1024xf32, #tpu.memory_space<vmem>>) target(%dma_start3A_35 : memref<40x1024xf32, #tpu.memory_space<hbm>>) target_semaphore(%run_scoped3A : memref<!tpu.dma_semaphore, #tpu.memory_space<semaphore_mem>>)
        %dma_wait3A_36 = arith.constant 0 : i32
        %dma_wait3A_37 = tpu.memref_slice %arg4[%add3A_15, %dma_wait3A_36] : memref<5000x1024xf32, #tpu.memory_space<hbm>> -> memref<40x1024xf32, #tpu.memory_space<hbm>>
        %dma_wait3A_38 = arith.constant 0 : i32
        %dma_wait3A_39 = tpu.memref_slice %arg4[%add3A_15, %dma_wait3A_38] : memref<5000x1024xf32, #tpu.memory_space<hbm>> -> memref<40x1024xf32, #tpu.memory_space<hbm>>
        tpu.wait_dma2 semaphore(%run_scoped3A : memref<!tpu.dma_semaphore, #tpu.memory_space<semaphore_mem>>) src(%arg6 : memref<40x1024xf32, #tpu.memory_space<vmem>>) dst(%dma_wait3A_39 : memref<40x1024xf32, #tpu.memory_space<hbm>>)
        tpu.yield
      }) : () -> ()
    } else {
    }
    %add3A_21 = arith.constant 120 : i32
    %add3A_22 = arith.addi %mul3A_2, %add3A_21 : i32
    %lt3A_23 = arith.constant 5000 : i32
    %lt3A_24 = arith.cmpi slt, %add3A_22, %lt3A_23 : i32
    %convert_element_type3A_25 = arith.extui %lt3A_24 : i1 to i32
    %cond3A_26 = arith.constant 0 : i32
    %cond3A_27 = arith.cmpi ne, %convert_element_type3A_25, %cond3A_26 : i32
    scf.if %cond3A_27 {
      "tpu.region"() ({
        %run_scoped3A = tpu.sem_alloc : memref<!tpu.dma_semaphore, #tpu.memory_space<semaphore_mem>>
        %dma_start3A_32 = tpu.memref_slice %arg3[%add3A_22] : memref<5000xi32, #tpu.memory_space<hbm>> -> memref<40xi32, #tpu.memory_space<hbm>>
        %dma_start3A_33 = tpu.memref_slice %arg3[%add3A_22] : memref<5000xi32, #tpu.memory_space<hbm>> -> memref<40xi32, #tpu.memory_space<hbm>>
        tpu.enqueue_dma source(%dma_start3A_33 : memref<40xi32, #tpu.memory_space<hbm>>) target(%arg5 : memref<40xi32, #tpu.memory_space<vmem>>) target_semaphore(%run_scoped3A : memref<!tpu.dma_semaphore, #tpu.memory_space<semaphore_mem>>)
        %dma_wait3A_34 = tpu.memref_slice %arg3[%add3A_22] : memref<5000xi32, #tpu.memory_space<hbm>> -> memref<40xi32, #tpu.memory_space<hbm>>
        %dma_wait3A_35 = tpu.memref_slice %arg3[%add3A_22] : memref<5000xi32, #tpu.memory_space<hbm>> -> memref<40xi32, #tpu.memory_space<hbm>>
        tpu.wait_dma2 semaphore(%run_scoped3A : memref<!tpu.dma_semaphore, #tpu.memory_space<semaphore_mem>>) src(%dma_wait3A_35 : memref<40xi32, #tpu.memory_space<hbm>>) dst(%arg5 : memref<40xi32, #tpu.memory_space<vmem>>)
        tpu.yield
      }) : () -> ()
      %dma_start3A = arith.constant 0 : i32
      %dma_start3A_28 = arith.constant 0 : i32
      %dma_start3A_29 = tpu.memref_slice %arg2[%dma_start3A, %dma_start3A_28] : memref<5000x1024xf32, #tpu.memory_space<hbm>> -> memref<5000x1024xf32, #tpu.memory_space<hbm>>
      tpu.enqueue_indirect_dma source(%dma_start3A_29 : memref<5000x1024xf32, #tpu.memory_space<hbm>>) target(%arg6 : memref<40x1024xf32, #tpu.memory_space<vmem>>) offsets(%arg5 : memref<40xi32, #tpu.memory_space<vmem>>) semaphore(%arg7 : memref<!tpu.dma_semaphore, #tpu.memory_space<semaphore_mem>>)
      %dma_wait3A = arith.constant 0 : i32
      %dma_wait3A_30 = arith.constant 0 : i32
      %dma_wait3A_31 = tpu.memref_slice %arg2[%dma_wait3A, %dma_wait3A_30] : memref<5000x1024xf32, #tpu.memory_space<hbm>> -> memref<5000x1024xf32, #tpu.memory_space<hbm>>
      tpu.wait_indirect_dma semaphore(%arg7 : memref<!tpu.dma_semaphore, #tpu.memory_space<semaphore_mem>>) src(%dma_wait3A_31 : memref<5000x1024xf32, #tpu.memory_space<hbm>>) dst(%arg6 : memref<40x1024xf32, #tpu.memory_space<vmem>>)
      "tpu.region"() ({
        %run_scoped3A = tpu.sem_alloc : memref<!tpu.dma_semaphore, #tpu.memory_space<semaphore_mem>>
        %dma_start3A_32 = arith.constant 0 : i32
        %dma_start3A_33 = tpu.memref_slice %arg4[%add3A_22, %dma_start3A_32] : memref<5000x1024xf32, #tpu.memory_space<hbm>> -> memref<40x1024xf32, #tpu.memory_space<hbm>>
        %dma_start3A_34 = arith.constant 0 : i32
        %dma_start3A_35 = tpu.memref_slice %arg4[%add3A_22, %dma_start3A_34] : memref<5000x1024xf32, #tpu.memory_space<hbm>> -> memref<40x1024xf32, #tpu.memory_space<hbm>>
        tpu.enqueue_dma source(%arg6 : memref<40x1024xf32, #tpu.memory_space<vmem>>) target(%dma_start3A_35 : memref<40x1024xf32, #tpu.memory_space<hbm>>) target_semaphore(%run_scoped3A : memref<!tpu.dma_semaphore, #tpu.memory_space<semaphore_mem>>)
        %dma_wait3A_36 = arith.constant 0 : i32
        %dma_wait3A_37 = tpu.memref_slice %arg4[%add3A_22, %dma_wait3A_36] : memref<5000x1024xf32, #tpu.memory_space<hbm>> -> memref<40x1024xf32, #tpu.memory_space<hbm>>
        %dma_wait3A_38 = arith.constant 0 : i32
        %dma_wait3A_39 = tpu.memref_slice %arg4[%add3A_22, %dma_wait3A_38] : memref<5000x1024xf32, #tpu.memory_space<hbm>> -> memref<40x1024xf32, #tpu.memory_space<hbm>>
        tpu.wait_dma2 semaphore(%run_scoped3A : memref<!tpu.dma_semaphore, #tpu.memory_space<semaphore_mem>>) src(%arg6 : memref<40x1024xf32, #tpu.memory_space<vmem>>) dst(%dma_wait3A_39 : memref<40x1024xf32, #tpu.memory_space<hbm>>)
        tpu.yield
      }) : () -> ()
    } else {
    }
    return
  }
}

module attributes {stable_mosaic.version = 14 : i64} {
  func.func @_sweep_body(%arg0: i32, %arg1: i32, %arg2: memref<640x1024xbf16, #tpu.memory_space<vmem>>, %arg3: memref<640x1024xbf16, #tpu.memory_space<vmem>>, %arg4: memref<1x1x640xf32, #tpu.memory_space<vmem>>, %arg5: memref<1x1x640xf32, #tpu.memory_space<vmem>>, %arg6: memref<1x1x640xi32, #tpu.memory_space<vmem>>, %arg7: memref<1x1x640xi32, #tpu.memory_space<vmem>>, %arg8: memref<1x1x640xf32, #tpu.memory_space<vmem>>, %arg9: memref<1x5120xf32, #tpu.memory_space<vmem>>) attributes {dimension_semantics = [#tpu.dimension_semantics<arbitrary>, #tpu.dimension_semantics<arbitrary>], iteration_bounds = array<i64: 8, 8>, scalar_prefetch = 0 : i64, scratch_operands = 1 : i64, tpu.core_type = #tpu.core_type<tc>, window_params = [{transform_indices = @transform_0, window_bounds = array<i64: 640, 1024>}, {transform_indices = @transform_1, window_bounds = array<i64: 640, 1024>}, {transform_indices = @transform_2, window_bounds = array<i64: 1, 1, 640>}, {transform_indices = @transform_3, window_bounds = array<i64: 1, 1, 640>}, {transform_indices = @transform_4, window_bounds = array<i64: 1, 1, 640>}, {transform_indices = @transform_5, window_bounds = array<i64: 1, 1, 640>}, {transform_indices = @transform_6, window_bounds = array<i64: 1, 1, 640>}]} {
    %eq3A = arith.constant 0 : i32
    %eq3A_0 = arith.cmpi eq, %arg1, %eq3A : i32
    %convert_element_type3A = arith.extui %eq3A_0 : i1 to i32
    %cond3A = arith.constant 0 : i32
    %cond3A_1 = arith.cmpi ne, %convert_element_type3A, %cond3A : i32
    scf.if %cond3A_1 {
      %broadcast_in_dim3A = arith.constant 0.000000e+00 : f32
      %broadcast_in_dim3A_14 = vector.broadcast %broadcast_in_dim3A : f32 to vector<1x1x640xf32>
      %swap3A = arith.constant 0 : index
      %swap3A_15 = arith.constant 0 : index
      %swap3A_16 = arith.constant 0 : index
      %swap3A_17 = vector.load %arg8[%swap3A, %swap3A_15, %swap3A_16] : memref<1x1x640xf32, #tpu.memory_space<vmem>>, vector<1x1x640xf32>
      tpu.vector_store %arg8[%swap3A, %swap3A_15, %swap3A_16], %broadcast_in_dim3A_14 {strides = array<i32>} : memref<1x1x640xf32, #tpu.memory_space<vmem>>, vector<1x1x640xf32>,
      %broadcast_in_dim3A_18 = arith.constant 0.000000e+00 : f32
      %broadcast_in_dim3A_19 = vector.broadcast %broadcast_in_dim3A_18 : f32 to vector<1x640xf32>
      %mul3A = arith.constant 640 : i32
      %mul3A_20 = arith.muli %arg0, %mul3A : i32
      %swap3A_21 = arith.constant 0 : index
      %swap3A_22 = arith.index_cast %mul3A_20 : i32 to index
      %swap3A_23 = vector.load %arg9[%swap3A_21, %swap3A_22] : memref<1x5120xf32, #tpu.memory_space<vmem>>, vector<1x640xf32>
      tpu.vector_store %arg9[%swap3A_21, %swap3A_22], %broadcast_in_dim3A_19 {strides = array<i32>} : memref<1x5120xf32, #tpu.memory_space<vmem>>, vector<1x640xf32>,
    } else {
    }
    %lt3A = arith.cmpi slt, %arg1, %arg0 : i32
    %convert_element_type3A_2 = arith.extui %lt3A : i1 to i32
    %cond3A_3 = arith.constant 0 : i32
    %cond3A_4 = arith.cmpi ne, %convert_element_type3A_2, %cond3A_3 : i32
    scf.if %cond3A_4 {
      %lt3A_14 = arith.constant 7 : i32
      %lt3A_15 = arith.cmpi slt, %arg0, %lt3A_14 : i32
      %convert_element_type3A_16 = arith.extui %lt3A_15 : i1 to i32
      %cond3A_17 = arith.constant 0 : i32
      %cond3A_18 = arith.cmpi ne, %convert_element_type3A_16, %cond3A_17 : i32
      scf.if %cond3A_18 {
        %get3A = arith.constant 0 : index
        %get3A_24 = arith.constant 0 : index
        %get3A_25 = vector.load %arg2[%get3A, %get3A_24] : memref<640x1024xbf16, #tpu.memory_space<vmem>>, vector<640x1024xbf16>
        %get3A_26 = arith.constant 0 : index
        %get3A_27 = arith.constant 0 : index
        %get3A_28 = vector.load %arg3[%get3A_26, %get3A_27] : memref<640x1024xbf16, #tpu.memory_space<vmem>>, vector<640x1024xbf16>
        %dot_general3A = arith.constant dense<0.000000e+00> : vector<640x640xf32>
        %dot_general3A_29 = tpu.matmul %get3A_25, %get3A_28, %dot_general3A {dimension_numbers = #tpu.dot_dimension_numbers<[1], [1], [0], [0], [0, 0, 1, 0], [], []>, transpose_lhs_hint = false} : vector<640x1024xbf16>, vector<640x1024xbf16>, vector<640x640xf32> -> vector<640x640xf32>
        %get3A_30 = arith.constant 0 : index
        %get3A_31 = arith.constant 0 : index
        %get3A_32 = arith.constant 0 : index
        %get3A_33 = vector.load %arg4[%get3A_30, %get3A_31, %get3A_32] : memref<1x1x640xf32, #tpu.memory_space<vmem>>, vector<1x1x640xf32>
        %get3A_34 = vector.shape_cast %get3A_33 : vector<1x1x640xf32> to vector<640xf32>
        %get3A_35 = arith.constant 0 : index
        %get3A_36 = arith.constant 0 : index
        %get3A_37 = arith.constant 0 : index
        %get3A_38 = vector.load %arg5[%get3A_35, %get3A_36, %get3A_37] : memref<1x1x640xf32, #tpu.memory_space<vmem>>, vector<1x1x640xf32>
        %get3A_39 = vector.shape_cast %get3A_38 : vector<1x1x640xf32> to vector<640xf32>
        %broadcast_in_dim3A = vector.shape_cast %get3A_34 : vector<640xf32> to vector<640x1xf32>
        %broadcast_in_dim3A_40 = vector.shape_cast %get3A_39 : vector<640xf32> to vector<1x640xf32>
        %add3A = vector.broadcast %broadcast_in_dim3A : vector<640x1xf32> to vector<640x640xf32>
        %add3A_41 = vector.broadcast %broadcast_in_dim3A_40 : vector<1x640xf32> to vector<640x640xf32>
        %add3A_42 = arith.addf %add3A, %add3A_41 : vector<640x640xf32>
        %sub3A = arith.subf %add3A_42, %dot_general3A_29 : vector<640x640xf32>
        %div3A = arith.divf %dot_general3A_29, %sub3A : vector<640x640xf32>
        %get3A_43 = arith.constant 0 : index
        %get3A_44 = arith.constant 0 : index
        %get3A_45 = arith.constant 0 : index
        %get3A_46 = vector.load %arg6[%get3A_43, %get3A_44, %get3A_45] : memref<1x1x640xi32, #tpu.memory_space<vmem>>, vector<1x1x640xi32>
        %get3A_47 = vector.shape_cast %get3A_46 : vector<1x1x640xi32> to vector<640xi32>
        %broadcast_in_dim3A_48 = vector.shape_cast %get3A_47 : vector<640xi32> to vector<640x1xi32>
        %get3A_49 = arith.constant 0 : index
        %get3A_50 = arith.constant 0 : index
        %get3A_51 = arith.constant 0 : index
        %get3A_52 = vector.load %arg7[%get3A_49, %get3A_50, %get3A_51] : memref<1x1x640xi32, #tpu.memory_space<vmem>>, vector<1x1x640xi32>
        %get3A_53 = vector.shape_cast %get3A_52 : vector<1x1x640xi32> to vector<640xi32>
        %broadcast_in_dim3A_54 = vector.shape_cast %get3A_53 : vector<640xi32> to vector<1x640xi32>
        %eq3A_55 = vector.broadcast %broadcast_in_dim3A_48 : vector<640x1xi32> to vector<640x640xi32>
        %eq3A_56 = vector.broadcast %broadcast_in_dim3A_54 : vector<1x640xi32> to vector<640x640xi32>
        %eq3A_57 = arith.cmpi eq, %eq3A_55, %eq3A_56 : vector<640x640xi32>
        %jit3A = arith.constant 0.000000e+00 : f32
        %broadcast_in_dim3A_58 = vector.broadcast %jit3A : f32 to vector<640x640xf32>
        %select_n3A = arith.select %eq3A_57, %div3A, %broadcast_in_dim3A_58 : vector<640x640xi1>, vector<640x640xf32>
        %mul3A = arith.constant 640 : i32
        %mul3A_59 = arith.muli %arg0, %mul3A : i32
        %get3A_60 = arith.constant 0 : index
        %get3A_61 = arith.index_cast %mul3A_59 : i32 to index
        %get3A_62 = vector.load %arg9[%get3A_60, %get3A_61] : memref<1x5120xf32, #tpu.memory_space<vmem>>, vector<1x640xf32>
        %reduce_max3A = arith.constant dense<0xFF800000> : vector<640xf32>
        %reduce_max3A_63 = vector.multi_reduction <maximumf>, %select_n3A, %reduce_max3A [0] : vector<640x640xf32> to vector<640xf32>
        %broadcast_in_dim3A_64 = vector.shape_cast %reduce_max3A_63 : vector<640xf32> to vector<1x640xf32>
        %max3A = arith.maximumf %get3A_62, %broadcast_in_dim3A_64 : vector<1x640xf32>
        %mul3A_65 = arith.constant 640 : i32
        %mul3A_66 = arith.muli %arg0, %mul3A_65 : i32
        %swap3A = arith.constant 0 : index
        %swap3A_67 = arith.index_cast %mul3A_66 : i32 to index
        %swap3A_68 = vector.load %arg9[%swap3A, %swap3A_67] : memref<1x5120xf32, #tpu.memory_space<vmem>>, vector<1x640xf32>
        tpu.vector_store %arg9[%swap3A, %swap3A_67], %max3A {strides = array<i32>} : memref<1x5120xf32, #tpu.memory_space<vmem>>, vector<1x640xf32>,
        %mul3A_69 = arith.constant 640 : i32
        %mul3A_70 = arith.muli %arg1, %mul3A_69 : i32
        %get3A_71 = arith.constant 0 : index
        %get3A_72 = arith.index_cast %mul3A_70 : i32 to index
        %get3A_73 = vector.load %arg9[%get3A_71, %get3A_72] : memref<1x5120xf32, #tpu.memory_space<vmem>>, vector<1x640xf32>
        %get3A_74 = vector.shape_cast %get3A_73 : vector<1x640xf32> to vector<640xf32>
        %mul3A_75 = arith.mulf %select_n3A, %select_n3A : vector<640x640xf32>
        %mul3A_76 = arith.mulf %get3A_74, %get3A_74 : vector<640xf32>
        %broadcast_in_dim3A_77 = vector.shape_cast %mul3A_76 : vector<640xf32> to vector<640x1xf32>
        %sub3A_78 = vector.broadcast %broadcast_in_dim3A_77 : vector<640x1xf32> to vector<640x640xf32>
        %sub3A_79 = arith.subf %mul3A_75, %sub3A_78 : vector<640x640xf32>
        %get3A_80 = arith.constant 0 : index
        %get3A_81 = arith.constant 0 : index
        %get3A_82 = arith.constant 0 : index
        %get3A_83 = vector.load %arg8[%get3A_80, %get3A_81, %get3A_82] : memref<1x1x640xf32, #tpu.memory_space<vmem>>, vector<1x1x640xf32>
        %get3A_84 = vector.shape_cast %get3A_83 : vector<1x1x640xf32> to vector<640xf32>
        %reduce_max3A_85 = arith.constant dense<0xFF800000> : vector<640xf32>
        %reduce_max3A_86 = vector.multi_reduction <maximumf>, %sub3A_79, %reduce_max3A_85 [0] : vector<640x640xf32> to vector<640xf32>
        %max3A_87 = arith.maximumf %get3A_84, %reduce_max3A_86 : vector<640xf32>
        %swap3A_88 = arith.constant 0 : index
        %swap3A_89 = arith.constant 0 : index
        %swap3A_90 = arith.constant 0 : index
        %swap3A_91 = vector.load %arg8[%swap3A_88, %swap3A_89, %swap3A_90] : memref<1x1x640xf32, #tpu.memory_space<vmem>>, vector<1x1x640xf32>
        %swap3A_92 = vector.shape_cast %swap3A_91 : vector<1x1x640xf32> to vector<640xf32>
        %swap3A_93 = vector.shape_cast %max3A_87 : vector<640xf32> to vector<1x1x640xf32>
        tpu.vector_store %arg8[%swap3A_88, %swap3A_89, %swap3A_90], %swap3A_93 {strides = array<i32>} : memref<1x1x640xf32, #tpu.memory_space<vmem>>, vector<1x1x640xf32>,
      } else {
      }
      %eq3A_19 = arith.constant 7 : i32
      %eq3A_20 = arith.cmpi eq, %arg0, %eq3A_19 : i32
      %convert_element_type3A_21 = arith.extui %eq3A_20 : i1 to i32
      %cond3A_22 = arith.constant 0 : i32
      %cond3A_23 = arith.cmpi ne, %convert_element_type3A_21, %cond3A_22 : i32
      scf.if %cond3A_23 {
        %get3A = arith.constant 0 : index
        %get3A_24 = arith.constant 0 : index
        %get3A_25 = vector.load %arg2[%get3A, %get3A_24] : memref<640x1024xbf16, #tpu.memory_space<vmem>>, vector<640x1024xbf16>
        %get3A_26 = arith.constant 0 : index
        %get3A_27 = arith.constant 0 : index
        %get3A_28 = vector.load %arg3[%get3A_26, %get3A_27] : memref<640x1024xbf16, #tpu.memory_space<vmem>>, vector<640x1024xbf16>
        %dot_general3A = arith.constant dense<0.000000e+00> : vector<640x640xf32>
        %dot_general3A_29 = tpu.matmul %get3A_25, %get3A_28, %dot_general3A {dimension_numbers = #tpu.dot_dimension_numbers<[1], [1], [0], [0], [0, 0, 1, 0], [], []>, transpose_lhs_hint = false} : vector<640x1024xbf16>, vector<640x1024xbf16>, vector<640x640xf32> -> vector<640x640xf32>
        %get3A_30 = arith.constant 0 : index
        %get3A_31 = arith.constant 0 : index
        %get3A_32 = arith.constant 0 : index
        %get3A_33 = vector.load %arg4[%get3A_30, %get3A_31, %get3A_32] : memref<1x1x640xf32, #tpu.memory_space<vmem>>, vector<1x1x640xf32>
        %get3A_34 = vector.shape_cast %get3A_33 : vector<1x1x640xf32> to vector<640xf32>
        %get3A_35 = arith.constant 0 : index
        %get3A_36 = arith.constant 0 : index
        %get3A_37 = arith.constant 0 : index
        %get3A_38 = vector.load %arg5[%get3A_35, %get3A_36, %get3A_37] : memref<1x1x640xf32, #tpu.memory_space<vmem>>, vector<1x1x640xf32>
        %get3A_39 = vector.shape_cast %get3A_38 : vector<1x1x640xf32> to vector<640xf32>
        %broadcast_in_dim3A = vector.shape_cast %get3A_34 : vector<640xf32> to vector<640x1xf32>
        %broadcast_in_dim3A_40 = vector.shape_cast %get3A_39 : vector<640xf32> to vector<1x640xf32>
        %add3A = vector.broadcast %broadcast_in_dim3A : vector<640x1xf32> to vector<640x640xf32>
        %add3A_41 = vector.broadcast %broadcast_in_dim3A_40 : vector<1x640xf32> to vector<640x640xf32>
        %add3A_42 = arith.addf %add3A, %add3A_41 : vector<640x640xf32>
        %sub3A = arith.subf %add3A_42, %dot_general3A_29 : vector<640x640xf32>
        %div3A = arith.divf %dot_general3A_29, %sub3A : vector<640x640xf32>
        %get3A_43 = arith.constant 0 : index
        %get3A_44 = arith.constant 0 : index
        %get3A_45 = arith.constant 0 : index
        %get3A_46 = vector.load %arg6[%get3A_43, %get3A_44, %get3A_45] : memref<1x1x640xi32, #tpu.memory_space<vmem>>, vector<1x1x640xi32>
        %get3A_47 = vector.shape_cast %get3A_46 : vector<1x1x640xi32> to vector<640xi32>
        %broadcast_in_dim3A_48 = vector.shape_cast %get3A_47 : vector<640xi32> to vector<640x1xi32>
        %get3A_49 = arith.constant 0 : index
        %get3A_50 = arith.constant 0 : index
        %get3A_51 = arith.constant 0 : index
        %get3A_52 = vector.load %arg7[%get3A_49, %get3A_50, %get3A_51] : memref<1x1x640xi32, #tpu.memory_space<vmem>>, vector<1x1x640xi32>
        %get3A_53 = vector.shape_cast %get3A_52 : vector<1x1x640xi32> to vector<640xi32>
        %broadcast_in_dim3A_54 = vector.shape_cast %get3A_53 : vector<640xi32> to vector<1x640xi32>
        %eq3A_55 = vector.broadcast %broadcast_in_dim3A_48 : vector<640x1xi32> to vector<640x640xi32>
        %eq3A_56 = vector.broadcast %broadcast_in_dim3A_54 : vector<1x640xi32> to vector<640x640xi32>
        %eq3A_57 = arith.cmpi eq, %eq3A_55, %eq3A_56 : vector<640x640xi32>
        %iota3A = tpu.iota {dimensions = array<i32: 1>} : vector<640x640xi32>
        %mul3A = arith.constant 640 : i32
        %mul3A_58 = arith.muli %arg0, %mul3A : i32
        %add3A_59 = vector.broadcast %mul3A_58 : i32 to vector<640x640xi32>
        %add3A_60 = arith.addi %add3A_59, %iota3A : vector<640x640xi32>
        %lt3A_61 = arith.constant 5000 : i32
        %lt3A_62 = vector.broadcast %lt3A_61 : i32 to vector<640x640xi32>
        %lt3A_63 = arith.cmpi slt, %add3A_60, %lt3A_62 : vector<640x640xi32>
        %and3A = arith.andi %eq3A_57, %lt3A_63 : vector<640x640xi1>
        %jit3A = arith.constant 0.000000e+00 : f32
        %broadcast_in_dim3A_64 = vector.broadcast %jit3A : f32 to vector<640x640xf32>
        %select_n3A = arith.select %and3A, %div3A, %broadcast_in_dim3A_64 : vector<640x640xi1>, vector<640x640xf32>
        %mul3A_65 = arith.constant 640 : i32
        %mul3A_66 = arith.muli %arg0, %mul3A_65 : i32
        %get3A_67 = arith.constant 0 : index
        %get3A_68 = arith.index_cast %mul3A_66 : i32 to index
        %get3A_69 = vector.load %arg9[%get3A_67, %get3A_68] : memref<1x5120xf32, #tpu.memory_space<vmem>>, vector<1x640xf32>
        %reduce_max3A = arith.constant dense<0xFF800000> : vector<640xf32>
        %reduce_max3A_70 = vector.multi_reduction <maximumf>, %select_n3A, %reduce_max3A [0] : vector<640x640xf32> to vector<640xf32>
        %broadcast_in_dim3A_71 = vector.shape_cast %reduce_max3A_70 : vector<640xf32> to vector<1x640xf32>
        %max3A = arith.maximumf %get3A_69, %broadcast_in_dim3A_71 : vector<1x640xf32>
        %mul3A_72 = arith.constant 640 : i32
        %mul3A_73 = arith.muli %arg0, %mul3A_72 : i32
        %swap3A = arith.constant 0 : index
        %swap3A_74 = arith.index_cast %mul3A_73 : i32 to index
        %swap3A_75 = vector.load %arg9[%swap3A, %swap3A_74] : memref<1x5120xf32, #tpu.memory_space<vmem>>, vector<1x640xf32>
        tpu.vector_store %arg9[%swap3A, %swap3A_74], %max3A {strides = array<i32>} : memref<1x5120xf32, #tpu.memory_space<vmem>>, vector<1x640xf32>,
        %mul3A_76 = arith.constant 640 : i32
        %mul3A_77 = arith.muli %arg1, %mul3A_76 : i32
        %get3A_78 = arith.constant 0 : index
        %get3A_79 = arith.index_cast %mul3A_77 : i32 to index
        %get3A_80 = vector.load %arg9[%get3A_78, %get3A_79] : memref<1x5120xf32, #tpu.memory_space<vmem>>, vector<1x640xf32>
        %get3A_81 = vector.shape_cast %get3A_80 : vector<1x640xf32> to vector<640xf32>
        %mul3A_82 = arith.mulf %select_n3A, %select_n3A : vector<640x640xf32>
        %mul3A_83 = arith.mulf %get3A_81, %get3A_81 : vector<640xf32>
        %broadcast_in_dim3A_84 = vector.shape_cast %mul3A_83 : vector<640xf32> to vector<640x1xf32>
        %sub3A_85 = vector.broadcast %broadcast_in_dim3A_84 : vector<640x1xf32> to vector<640x640xf32>
        %sub3A_86 = arith.subf %mul3A_82, %sub3A_85 : vector<640x640xf32>
        %get3A_87 = arith.constant 0 : index
        %get3A_88 = arith.constant 0 : index
        %get3A_89 = arith.constant 0 : index
        %get3A_90 = vector.load %arg8[%get3A_87, %get3A_88, %get3A_89] : memref<1x1x640xf32, #tpu.memory_space<vmem>>, vector<1x1x640xf32>
        %get3A_91 = vector.shape_cast %get3A_90 : vector<1x1x640xf32> to vector<640xf32>
        %reduce_max3A_92 = arith.constant dense<0xFF800000> : vector<640xf32>
        %reduce_max3A_93 = vector.multi_reduction <maximumf>, %sub3A_86, %reduce_max3A_92 [0] : vector<640x640xf32> to vector<640xf32>
        %max3A_94 = arith.maximumf %get3A_91, %reduce_max3A_93 : vector<640xf32>
        %swap3A_95 = arith.constant 0 : index
        %swap3A_96 = arith.constant 0 : index
        %swap3A_97 = arith.constant 0 : index
        %swap3A_98 = vector.load %arg8[%swap3A_95, %swap3A_96, %swap3A_97] : memref<1x1x640xf32, #tpu.memory_space<vmem>>, vector<1x1x640xf32>
        %swap3A_99 = vector.shape_cast %swap3A_98 : vector<1x1x640xf32> to vector<640xf32>
        %swap3A_100 = vector.shape_cast %max3A_94 : vector<640xf32> to vector<1x1x640xf32>
        tpu.vector_store %arg8[%swap3A_95, %swap3A_96, %swap3A_97], %swap3A_100 {strides = array<i32>} : memref<1x1x640xf32, #tpu.memory_space<vmem>>, vector<1x1x640xf32>,
      } else {
      }
    } else {
    }
    %eq3A_5 = arith.cmpi eq, %arg1, %arg0 : i32
    %convert_element_type3A_6 = arith.extui %eq3A_5 : i1 to i32
    %cond3A_7 = arith.constant 0 : i32
    %cond3A_8 = arith.cmpi ne, %convert_element_type3A_6, %cond3A_7 : i32
    scf.if %cond3A_8 {
      %lt3A_14 = arith.constant 7 : i32
      %lt3A_15 = arith.cmpi slt, %arg0, %lt3A_14 : i32
      %convert_element_type3A_16 = arith.extui %lt3A_15 : i1 to i32
      %cond3A_17 = arith.constant 0 : i32
      %cond3A_18 = arith.cmpi ne, %convert_element_type3A_16, %cond3A_17 : i32
      scf.if %cond3A_18 {
        %get3A = arith.constant 0 : index
        %get3A_24 = arith.constant 0 : index
        %get3A_25 = vector.load %arg2[%get3A, %get3A_24] : memref<640x1024xbf16, #tpu.memory_space<vmem>>, vector<640x1024xbf16>
        %get3A_26 = arith.constant 0 : index
        %get3A_27 = arith.constant 0 : index
        %get3A_28 = vector.load %arg3[%get3A_26, %get3A_27] : memref<640x1024xbf16, #tpu.memory_space<vmem>>, vector<640x1024xbf16>
        %dot_general3A = arith.constant dense<0.000000e+00> : vector<640x640xf32>
        %dot_general3A_29 = tpu.matmul %get3A_25, %get3A_28, %dot_general3A {dimension_numbers = #tpu.dot_dimension_numbers<[1], [1], [0], [0], [0, 0, 1, 0], [], []>, transpose_lhs_hint = false} : vector<640x1024xbf16>, vector<640x1024xbf16>, vector<640x640xf32> -> vector<640x640xf32>
        %get3A_30 = arith.constant 0 : index
        %get3A_31 = arith.constant 0 : index
        %get3A_32 = arith.constant 0 : index
        %get3A_33 = vector.load %arg4[%get3A_30, %get3A_31, %get3A_32] : memref<1x1x640xf32, #tpu.memory_space<vmem>>, vector<1x1x640xf32>
        %get3A_34 = vector.shape_cast %get3A_33 : vector<1x1x640xf32> to vector<640xf32>
        %get3A_35 = arith.constant 0 : index
        %get3A_36 = arith.constant 0 : index
        %get3A_37 = arith.constant 0 : index
        %get3A_38 = vector.load %arg5[%get3A_35, %get3A_36, %get3A_37] : memref<1x1x640xf32, #tpu.memory_space<vmem>>, vector<1x1x640xf32>
        %get3A_39 = vector.shape_cast %get3A_38 : vector<1x1x640xf32> to vector<640xf32>
        %broadcast_in_dim3A = vector.shape_cast %get3A_34 : vector<640xf32> to vector<640x1xf32>
        %broadcast_in_dim3A_40 = vector.shape_cast %get3A_39 : vector<640xf32> to vector<1x640xf32>
        %add3A = vector.broadcast %broadcast_in_dim3A : vector<640x1xf32> to vector<640x640xf32>
        %add3A_41 = vector.broadcast %broadcast_in_dim3A_40 : vector<1x640xf32> to vector<640x640xf32>
        %add3A_42 = arith.addf %add3A, %add3A_41 : vector<640x640xf32>
        %sub3A = arith.subf %add3A_42, %dot_general3A_29 : vector<640x640xf32>
        %div3A = arith.divf %dot_general3A_29, %sub3A : vector<640x640xf32>
        %get3A_43 = arith.constant 0 : index
        %get3A_44 = arith.constant 0 : index
        %get3A_45 = arith.constant 0 : index
        %get3A_46 = vector.load %arg6[%get3A_43, %get3A_44, %get3A_45] : memref<1x1x640xi32, #tpu.memory_space<vmem>>, vector<1x1x640xi32>
        %get3A_47 = vector.shape_cast %get3A_46 : vector<1x1x640xi32> to vector<640xi32>
        %broadcast_in_dim3A_48 = vector.shape_cast %get3A_47 : vector<640xi32> to vector<640x1xi32>
        %get3A_49 = arith.constant 0 : index
        %get3A_50 = arith.constant 0 : index
        %get3A_51 = arith.constant 0 : index
        %get3A_52 = vector.load %arg7[%get3A_49, %get3A_50, %get3A_51] : memref<1x1x640xi32, #tpu.memory_space<vmem>>, vector<1x1x640xi32>
        %get3A_53 = vector.shape_cast %get3A_52 : vector<1x1x640xi32> to vector<640xi32>
        %broadcast_in_dim3A_54 = vector.shape_cast %get3A_53 : vector<640xi32> to vector<1x640xi32>
        %eq3A_55 = vector.broadcast %broadcast_in_dim3A_48 : vector<640x1xi32> to vector<640x640xi32>
        %eq3A_56 = vector.broadcast %broadcast_in_dim3A_54 : vector<1x640xi32> to vector<640x640xi32>
        %eq3A_57 = arith.cmpi eq, %eq3A_55, %eq3A_56 : vector<640x640xi32>
        %iota3A = tpu.iota {dimensions = array<i32: 1>} : vector<640x640xi32>
        %iota3A_58 = tpu.iota {dimensions = array<i32: 0>} : vector<640x640xi32>
        %lt3A_59 = arith.cmpi slt, %iota3A_58, %iota3A : vector<640x640xi32>
        %and3A = arith.andi %eq3A_57, %lt3A_59 : vector<640x640xi1>
        %jit3A = arith.constant 0.000000e+00 : f32
        %broadcast_in_dim3A_60 = vector.broadcast %jit3A : f32 to vector<640x640xf32>
        %select_n3A = arith.select %and3A, %div3A, %broadcast_in_dim3A_60 : vector<640x640xi1>, vector<640x640xf32>
        %mul3A = arith.constant 640 : i32
        %mul3A_61 = arith.muli %arg0, %mul3A : i32
        %get3A_62 = arith.constant 0 : index
        %get3A_63 = arith.index_cast %mul3A_61 : i32 to index
        %get3A_64 = vector.load %arg9[%get3A_62, %get3A_63] : memref<1x5120xf32, #tpu.memory_space<vmem>>, vector<1x640xf32>
        %reduce_max3A = arith.constant dense<0xFF800000> : vector<640xf32>
        %reduce_max3A_65 = vector.multi_reduction <maximumf>, %select_n3A, %reduce_max3A [0] : vector<640x640xf32> to vector<640xf32>
        %broadcast_in_dim3A_66 = vector.shape_cast %reduce_max3A_65 : vector<640xf32> to vector<1x640xf32>
        %max3A = arith.maximumf %get3A_64, %broadcast_in_dim3A_66 : vector<1x640xf32>
        %mul3A_67 = arith.constant 640 : i32
        %mul3A_68 = arith.muli %arg0, %mul3A_67 : i32
        %swap3A = arith.constant 0 : index
        %swap3A_69 = arith.index_cast %mul3A_68 : i32 to index
        %swap3A_70 = vector.load %arg9[%swap3A, %swap3A_69] : memref<1x5120xf32, #tpu.memory_space<vmem>>, vector<1x640xf32>
        tpu.vector_store %arg9[%swap3A, %swap3A_69], %max3A {strides = array<i32>} : memref<1x5120xf32, #tpu.memory_space<vmem>>, vector<1x640xf32>,
        %mul3A_71 = arith.constant 640 : i32
        %mul3A_72 = arith.muli %arg1, %mul3A_71 : i32
        %get3A_73 = arith.constant 0 : index
        %get3A_74 = arith.index_cast %mul3A_72 : i32 to index
        %get3A_75 = vector.load %arg9[%get3A_73, %get3A_74] : memref<1x5120xf32, #tpu.memory_space<vmem>>, vector<1x640xf32>
        %get3A_76 = vector.shape_cast %get3A_75 : vector<1x640xf32> to vector<640xf32>
        %mul3A_77 = arith.mulf %select_n3A, %select_n3A : vector<640x640xf32>
        %mul3A_78 = arith.mulf %get3A_76, %get3A_76 : vector<640xf32>
        %broadcast_in_dim3A_79 = vector.shape_cast %mul3A_78 : vector<640xf32> to vector<640x1xf32>
        %sub3A_80 = vector.broadcast %broadcast_in_dim3A_79 : vector<640x1xf32> to vector<640x640xf32>
        %sub3A_81 = arith.subf %mul3A_77, %sub3A_80 : vector<640x640xf32>
        %get3A_82 = arith.constant 0 : index
        %get3A_83 = arith.constant 0 : index
        %get3A_84 = arith.constant 0 : index
        %get3A_85 = vector.load %arg8[%get3A_82, %get3A_83, %get3A_84] : memref<1x1x640xf32, #tpu.memory_space<vmem>>, vector<1x1x640xf32>
        %get3A_86 = vector.shape_cast %get3A_85 : vector<1x1x640xf32> to vector<640xf32>
        %reduce_max3A_87 = arith.constant dense<0xFF800000> : vector<640xf32>
        %reduce_max3A_88 = vector.multi_reduction <maximumf>, %sub3A_81, %reduce_max3A_87 [0] : vector<640x640xf32> to vector<640xf32>
        %max3A_89 = arith.maximumf %get3A_86, %reduce_max3A_88 : vector<640xf32>
        %swap3A_90 = arith.constant 0 : index
        %swap3A_91 = arith.constant 0 : index
        %swap3A_92 = arith.constant 0 : index
        %swap3A_93 = vector.load %arg8[%swap3A_90, %swap3A_91, %swap3A_92] : memref<1x1x640xf32, #tpu.memory_space<vmem>>, vector<1x1x640xf32>
        %swap3A_94 = vector.shape_cast %swap3A_93 : vector<1x1x640xf32> to vector<640xf32>
        %swap3A_95 = vector.shape_cast %max3A_89 : vector<640xf32> to vector<1x1x640xf32>
        tpu.vector_store %arg8[%swap3A_90, %swap3A_91, %swap3A_92], %swap3A_95 {strides = array<i32>} : memref<1x1x640xf32, #tpu.memory_space<vmem>>, vector<1x1x640xf32>,
      } else {
      }
      %eq3A_19 = arith.constant 7 : i32
      %eq3A_20 = arith.cmpi eq, %arg0, %eq3A_19 : i32
      %convert_element_type3A_21 = arith.extui %eq3A_20 : i1 to i32
      %cond3A_22 = arith.constant 0 : i32
      %cond3A_23 = arith.cmpi ne, %convert_element_type3A_21, %cond3A_22 : i32
      scf.if %cond3A_23 {
        %get3A = arith.constant 0 : index
        %get3A_24 = arith.constant 0 : index
        %get3A_25 = vector.load %arg2[%get3A, %get3A_24] : memref<640x1024xbf16, #tpu.memory_space<vmem>>, vector<640x1024xbf16>
        %get3A_26 = arith.constant 0 : index
        %get3A_27 = arith.constant 0 : index
        %get3A_28 = vector.load %arg3[%get3A_26, %get3A_27] : memref<640x1024xbf16, #tpu.memory_space<vmem>>, vector<640x1024xbf16>
        %dot_general3A = arith.constant dense<0.000000e+00> : vector<640x640xf32>
        %dot_general3A_29 = tpu.matmul %get3A_25, %get3A_28, %dot_general3A {dimension_numbers = #tpu.dot_dimension_numbers<[1], [1], [0], [0], [0, 0, 1, 0], [], []>, transpose_lhs_hint = false} : vector<640x1024xbf16>, vector<640x1024xbf16>, vector<640x640xf32> -> vector<640x640xf32>
        %get3A_30 = arith.constant 0 : index
        %get3A_31 = arith.constant 0 : index
        %get3A_32 = arith.constant 0 : index
        %get3A_33 = vector.load %arg4[%get3A_30, %get3A_31, %get3A_32] : memref<1x1x640xf32, #tpu.memory_space<vmem>>, vector<1x1x640xf32>
        %get3A_34 = vector.shape_cast %get3A_33 : vector<1x1x640xf32> to vector<640xf32>
        %get3A_35 = arith.constant 0 : index
        %get3A_36 = arith.constant 0 : index
        %get3A_37 = arith.constant 0 : index
        %get3A_38 = vector.load %arg5[%get3A_35, %get3A_36, %get3A_37] : memref<1x1x640xf32, #tpu.memory_space<vmem>>, vector<1x1x640xf32>
        %get3A_39 = vector.shape_cast %get3A_38 : vector<1x1x640xf32> to vector<640xf32>
        %broadcast_in_dim3A = vector.shape_cast %get3A_34 : vector<640xf32> to vector<640x1xf32>
        %broadcast_in_dim3A_40 = vector.shape_cast %get3A_39 : vector<640xf32> to vector<1x640xf32>
        %add3A = vector.broadcast %broadcast_in_dim3A : vector<640x1xf32> to vector<640x640xf32>
        %add3A_41 = vector.broadcast %broadcast_in_dim3A_40 : vector<1x640xf32> to vector<640x640xf32>
        %add3A_42 = arith.addf %add3A, %add3A_41 : vector<640x640xf32>
        %sub3A = arith.subf %add3A_42, %dot_general3A_29 : vector<640x640xf32>
        %div3A = arith.divf %dot_general3A_29, %sub3A : vector<640x640xf32>
        %get3A_43 = arith.constant 0 : index
        %get3A_44 = arith.constant 0 : index
        %get3A_45 = arith.constant 0 : index
        %get3A_46 = vector.load %arg6[%get3A_43, %get3A_44, %get3A_45] : memref<1x1x640xi32, #tpu.memory_space<vmem>>, vector<1x1x640xi32>
        %get3A_47 = vector.shape_cast %get3A_46 : vector<1x1x640xi32> to vector<640xi32>
        %broadcast_in_dim3A_48 = vector.shape_cast %get3A_47 : vector<640xi32> to vector<640x1xi32>
        %get3A_49 = arith.constant 0 : index
        %get3A_50 = arith.constant 0 : index
        %get3A_51 = arith.constant 0 : index
        %get3A_52 = vector.load %arg7[%get3A_49, %get3A_50, %get3A_51] : memref<1x1x640xi32, #tpu.memory_space<vmem>>, vector<1x1x640xi32>
        %get3A_53 = vector.shape_cast %get3A_52 : vector<1x1x640xi32> to vector<640xi32>
        %broadcast_in_dim3A_54 = vector.shape_cast %get3A_53 : vector<640xi32> to vector<1x640xi32>
        %eq3A_55 = vector.broadcast %broadcast_in_dim3A_48 : vector<640x1xi32> to vector<640x640xi32>
        %eq3A_56 = vector.broadcast %broadcast_in_dim3A_54 : vector<1x640xi32> to vector<640x640xi32>
        %eq3A_57 = arith.cmpi eq, %eq3A_55, %eq3A_56 : vector<640x640xi32>
        %iota3A = tpu.iota {dimensions = array<i32: 1>} : vector<640x640xi32>
        %iota3A_58 = tpu.iota {dimensions = array<i32: 0>} : vector<640x640xi32>
        %lt3A_59 = arith.cmpi slt, %iota3A_58, %iota3A : vector<640x640xi32>
        %and3A = arith.andi %eq3A_57, %lt3A_59 : vector<640x640xi1>
        %mul3A = arith.constant 640 : i32
        %mul3A_60 = arith.muli %arg0, %mul3A : i32
        %add3A_61 = vector.broadcast %mul3A_60 : i32 to vector<640x640xi32>
        %add3A_62 = arith.addi %add3A_61, %iota3A : vector<640x640xi32>
        %lt3A_63 = arith.constant 5000 : i32
        %lt3A_64 = vector.broadcast %lt3A_63 : i32 to vector<640x640xi32>
        %lt3A_65 = arith.cmpi slt, %add3A_62, %lt3A_64 : vector<640x640xi32>
        %and3A_66 = arith.andi %and3A, %lt3A_65 : vector<640x640xi1>
        %jit3A = arith.constant 0.000000e+00 : f32
        %broadcast_in_dim3A_67 = vector.broadcast %jit3A : f32 to vector<640x640xf32>
        %select_n3A = arith.select %and3A_66, %div3A, %broadcast_in_dim3A_67 : vector<640x640xi1>, vector<640x640xf32>
        %mul3A_68 = arith.constant 640 : i32
        %mul3A_69 = arith.muli %arg0, %mul3A_68 : i32
        %get3A_70 = arith.constant 0 : index
        %get3A_71 = arith.index_cast %mul3A_69 : i32 to index
        %get3A_72 = vector.load %arg9[%get3A_70, %get3A_71] : memref<1x5120xf32, #tpu.memory_space<vmem>>, vector<1x640xf32>
        %reduce_max3A = arith.constant dense<0xFF800000> : vector<640xf32>
        %reduce_max3A_73 = vector.multi_reduction <maximumf>, %select_n3A, %reduce_max3A [0] : vector<640x640xf32> to vector<640xf32>
        %broadcast_in_dim3A_74 = vector.shape_cast %reduce_max3A_73 : vector<640xf32> to vector<1x640xf32>
        %max3A = arith.maximumf %get3A_72, %broadcast_in_dim3A_74 : vector<1x640xf32>
        %mul3A_75 = arith.constant 640 : i32
        %mul3A_76 = arith.muli %arg0, %mul3A_75 : i32
        %swap3A = arith.constant 0 : index
        %swap3A_77 = arith.index_cast %mul3A_76 : i32 to index
        %swap3A_78 = vector.load %arg9[%swap3A, %swap3A_77] : memref<1x5120xf32, #tpu.memory_space<vmem>>, vector<1x640xf32>
        tpu.vector_store %arg9[%swap3A, %swap3A_77], %max3A {strides = array<i32>} : memref<1x5120xf32, #tpu.memory_space<vmem>>, vector<1x640xf32>,
        %mul3A_79 = arith.constant 640 : i32
        %mul3A_80 = arith.muli %arg1, %mul3A_79 : i32
        %get3A_81 = arith.constant 0 : index
        %get3A_82 = arith.index_cast %mul3A_80 : i32 to index
        %get3A_83 = vector.load %arg9[%get3A_81, %get3A_82] : memref<1x5120xf32, #tpu.memory_space<vmem>>, vector<1x640xf32>
        %get3A_84 = vector.shape_cast %get3A_83 : vector<1x640xf32> to vector<640xf32>
        %mul3A_85 = arith.mulf %select_n3A, %select_n3A : vector<640x640xf32>
        %mul3A_86 = arith.mulf %get3A_84, %get3A_84 : vector<640xf32>
        %broadcast_in_dim3A_87 = vector.shape_cast %mul3A_86 : vector<640xf32> to vector<640x1xf32>
        %sub3A_88 = vector.broadcast %broadcast_in_dim3A_87 : vector<640x1xf32> to vector<640x640xf32>
        %sub3A_89 = arith.subf %mul3A_85, %sub3A_88 : vector<640x640xf32>
        %get3A_90 = arith.constant 0 : index
        %get3A_91 = arith.constant 0 : index
        %get3A_92 = arith.constant 0 : index
        %get3A_93 = vector.load %arg8[%get3A_90, %get3A_91, %get3A_92] : memref<1x1x640xf32, #tpu.memory_space<vmem>>, vector<1x1x640xf32>
        %get3A_94 = vector.shape_cast %get3A_93 : vector<1x1x640xf32> to vector<640xf32>
        %reduce_max3A_95 = arith.constant dense<0xFF800000> : vector<640xf32>
        %reduce_max3A_96 = vector.multi_reduction <maximumf>, %sub3A_89, %reduce_max3A_95 [0] : vector<640x640xf32> to vector<640xf32>
        %max3A_97 = arith.maximumf %get3A_94, %reduce_max3A_96 : vector<640xf32>
        %swap3A_98 = arith.constant 0 : index
        %swap3A_99 = arith.constant 0 : index
        %swap3A_100 = arith.constant 0 : index
        %swap3A_101 = vector.load %arg8[%swap3A_98, %swap3A_99, %swap3A_100] : memref<1x1x640xf32, #tpu.memory_space<vmem>>, vector<1x1x640xf32>
        %swap3A_102 = vector.shape_cast %swap3A_101 : vector<1x1x640xf32> to vector<640xf32>
        %swap3A_103 = vector.shape_cast %max3A_97 : vector<640xf32> to vector<1x1x640xf32>
        tpu.vector_store %arg8[%swap3A_98, %swap3A_99, %swap3A_100], %swap3A_103 {strides = array<i32>} : memref<1x1x640xf32, #tpu.memory_space<vmem>>, vector<1x1x640xf32>,
      } else {
      }
    } else {
    }
    %eq3A_9 = arith.constant 7 : i32
    %eq3A_10 = arith.cmpi eq, %arg1, %eq3A_9 : i32
    %convert_element_type3A_11 = arith.extui %eq3A_10 : i1 to i32
    %cond3A_12 = arith.constant 0 : i32
    %cond3A_13 = arith.cmpi ne, %convert_element_type3A_11, %cond3A_12 : i32
    scf.if %cond3A_13 {
      %get3A = arith.constant 0 : index
      %get3A_14 = arith.constant 0 : index
      %get3A_15 = arith.constant 0 : index
      %get3A_16 = vector.load %arg8[%get3A, %get3A_14, %get3A_15] : memref<1x1x640xf32, #tpu.memory_space<vmem>>, vector<1x1x640xf32>
      %mul3A = arith.constant -2.000000e+00 : f32
      %mul3A_17 = vector.broadcast %mul3A : f32 to vector<1x1x640xf32>
      %mul3A_18 = arith.mulf %mul3A_17, %get3A_16 : vector<1x1x640xf32>
      %exp3A = math.exp %mul3A_18 : vector<1x1x640xf32>
      %swap3A = arith.constant 0 : index
      %swap3A_19 = arith.constant 0 : index
      %swap3A_20 = arith.constant 0 : index
      %swap3A_21 = vector.load %arg8[%swap3A, %swap3A_19, %swap3A_20] : memref<1x1x640xf32, #tpu.memory_space<vmem>>, vector<1x1x640xf32>
      tpu.vector_store %arg8[%swap3A, %swap3A_19, %swap3A_20], %exp3A {strides = array<i32>} : memref<1x1x640xf32, #tpu.memory_space<vmem>>, vector<1x1x640xf32>,
    } else {
    }
    return
  }
  func.func @transform_0(%arg0: i32, %arg1: i32) -> (i32, i32) {
    %min3A = arith.minsi %arg1, %arg0 : i32
    %c0_i32 = arith.constant 0 : i32
    %c0_i32_0 = arith.constant 0 : i32
    return %min3A, %c0_i32 : i32, i32
  }
  func.func @transform_1(%arg0: i32, %arg1: i32) -> (i32, i32) {
    %c0_i32 = arith.constant 0 : i32
    %c0_i32_0 = arith.constant 0 : i32
    return %arg0, %c0_i32 : i32, i32
  }
  func.func @transform_2(%arg0: i32, %arg1: i32) -> (i32, i32, i32) {
    %min3A = arith.minsi %arg1, %arg0 : i32
    %c0_i32 = arith.constant 0 : i32
    %c0_i32_0 = arith.constant 0 : i32
    %c0_i32_1 = arith.constant 0 : i32
    return %min3A, %c0_i32, %c0_i32_0 : i32, i32, i32
  }
  func.func @transform_3(%arg0: i32, %arg1: i32) -> (i32, i32, i32) {
    %c0_i32 = arith.constant 0 : i32
    %c0_i32_0 = arith.constant 0 : i32
    %c0_i32_1 = arith.constant 0 : i32
    return %arg0, %c0_i32, %c0_i32_0 : i32, i32, i32
  }
  func.func @transform_4(%arg0: i32, %arg1: i32) -> (i32, i32, i32) {
    %min3A = arith.minsi %arg1, %arg0 : i32
    %c0_i32 = arith.constant 0 : i32
    %c0_i32_0 = arith.constant 0 : i32
    %c0_i32_1 = arith.constant 0 : i32
    return %min3A, %c0_i32, %c0_i32_0 : i32, i32, i32
  }
  func.func @transform_5(%arg0: i32, %arg1: i32) -> (i32, i32, i32) {
    %c0_i32 = arith.constant 0 : i32
    %c0_i32_0 = arith.constant 0 : i32
    %c0_i32_1 = arith.constant 0 : i32
    return %arg0, %c0_i32, %c0_i32_0 : i32, i32, i32
  }
  func.func @transform_6(%arg0: i32, %arg1: i32) -> (i32, i32, i32) {
    %c0_i32 = arith.constant 0 : i32
    %c0_i32_0 = arith.constant 0 : i32
    %c0_i32_1 = arith.constant 0 : i32
    return %arg0, %c0_i32, %c0_i32_0 : i32, i32, i32
  }
}

</mosaic_0001>

<sc_bundles>
// kernel: kernel.4.cloned.1.call-start
scs
__scs_entry_jumppad:
0x0: {  	(pc) =	sbr.rel $0x88, $3  }
0x1: {  	(tag) =	ssettag $0x0;
	lr =	simm.s32 $0x1  }
0x2: {  	[smem:$0x3F9E] =	sst lr;
	_ =	strace $0xD0000000  }
0x3: {  	_ = 	snop  }
0x4: {  	_ = 	snop  }
0x5: {  	_ = 	snop  }
0x6: {  	_ = 	snop  }
0x7: {  	_ = 	snop  }
__scs_overlays_trampoline_lowered:
0x8: {  	[smem:$0x3FAD] =	sst s0  }
0x9: {  	[smem:$0x3FAE] =	sst s1  }
0xa: {  	[smem:$0x3FAF] =	sst s2  }
0xb: {  	[smem:$0x3FB0] =	sst s3  }
0xc: {  	[smem:$0x3FB1] =	sst s4  }
0xd: {  	[smem:$0x3FB2] =	sst s5  }
0xe: {  	[smem:$0x3FB3] =	sst s6  }
0xf: {  	[smem:$0x3FB4] =	sst s7  }
0x10: {  	[smem:$0x3FB5] =	sst s8  }
0x11: {  	[smem:$0x3FB6] =	sst s9;
	s0 =	simm.s32 @!p0 $0x0  }
0x12: {  	s1 =	sld [smem:$0x3F9C];
	s0 =	simm.s32 @p0 $0x1  }
0x13: {  	[smem:$0x3FB7] =	sst s0;
	s0 =	simm.s32 @!p1 $0x0  }
0x14: {  	s2 =	sld [smem:$0x3F9B];
	s0 =	simm.s32 @p1 $0x1  }
0x15: {  	[smem:$0x3FB8] =	sst s0;
	s0 =	simm.s32 @!p2 $0x0  }
0x16: {  	s3 =	sld [smem:$0x3FDB];
	s0 =	simm.s32 @p2 $0x1  }
0x17: {  	s4 =	simm.s32 $0x1BF5;
	[smem:$0x3FBA] =	sst s0  }
0x18: {  	s0 =	sld [smem:$0x3F9D];
	_ =	swait.ge [sflag:s4], $0x0  }
0x19: {  	s7 =	sld [smem:$0x3F9E]  }
0x1a: {  	s8 =	sadd.s32 $0xFFFFE003, lr  }
0x1b: {  	s9 =	sadd.s32 $0xFFFFFEF7, lr;
	s5 =	simm.s32 $0xFFFFFFFF;
	p2 =	slt.u32 s8, $0xFFFFF086  }
0x1c: {  	p1 =	slt.u32 s9, $0xF7A;
	s5 =	simm.s32 @!p2 $0x0  }
0x1d: {  	s5 =	simm.s32 @p1 $0x1;
	p0 =	seq.s32 s7, s2  }
0x1e: {  	s7 =	smul.u32 @!p0 $0xF7A, s2;
	p2 =	seq.s32 @!p0 s5, $0x0  }
0x1f: {  	s9 =	smul.u32 $0xF7A, s1;
	s8 =	simm.s32 @!p0 $0x1BF5;
	p2 =	por !p2, p0  }
0x20: {  	[sflag:s8] =	ssyncset.s32 @!p0 $0xFFFFF086;
	s6 =	sadd.s32 @!p0 s3, s7;
	s7 =	simm.s32 @!p0 $0x108  }
0x21: {  	s3 =	sadd.s32 s3, s9;
	s6 =	sadd.s32 @!p0 $0x88, s6;
	s7 =	simm.s32 @p2 $0x1082  }
0x22: {  	[simem:s7], [sflag:s8] =	dma.local @!p0 [hbm:s6], $0xF7A  }
0x23: {  	s9 =	sor.u32 $0xD0000000, s2;
	s6 =	simm.s32 $0x108;
	_ =	swait.ge @!p0 [sflag:s8], $0x0  }
0x24: {  	s3 =	sadd.s32 $0x88, s3;
	s6 =	simm.s32 @!p1 $0x1082;
	[sflag:s4] =	ssyncset.s32 $0xFFFFF086  }
0x25: {  	[simem:s6], [sflag:s4] =	dma.local [hbm:s3], $0xF7A  }
0x26: {  	[smem:$0x3F9E] =	sst s1;
	(tag) =	ssettag s2;
	_ =	strace s9  }
0x27: {  	s1 =	sld [smem:$0x3FAE]  }
0x28: {  	s2 =	sld [smem:$0x3FAF]  }
0x29: {  	s4 =	sld [smem:$0x3FB1]  }
0x2a: {  	p0 =	seq.s32 s5, $0x0;
	s5 =	sld [smem:$0x3FB2]  }
0x2b: {  	s6 =	sld [smem:$0x3FB3]  }
0x2c: {  	s7 =	sld [smem:$0x3FB4]  }
0x2d: {  	s3 =	simm.s32 $0x108;
	s8 =	sld [smem:$0x3FB5]  }
0x2e: {  	s3 =	simm.s32 @!p0 $0x1082;
	s9 =	sld [smem:$0x3FB6]  }
0x2f: {  	lr =	sadd.s32 s0, s3;
	s0 =	sld [smem:$0x3FAD]  }
0x30: {  	s3 =	sld [smem:$0x3FB0]  }
0x31: {  	[smem:$0x3FB9] =	sst s10  }
0x32: {  	s10 =	sld [smem:$0x3FB7];
	_ =	sdelay $0x3  }
0x33: {  	p0 =	seq.s32 s10, $0x1;
	s10 =	sld [smem:$0x3FB9];
	_ =	sdelay $0x3  }
0x34: {  	[smem:$0x3FB9] =	sst s10  }
0x35: {  	s10 =	sld [smem:$0x3FB8];
	_ =	sdelay $0x3  }
0x36: {  	p1 =	seq.s32 s10, $0x1;
	s10 =	sld [smem:$0x3FB9];
	_ =	sdelay $0x3  }
0x37: {  	[smem:$0x3FB9] =	sst s10  }
0x38: {  	s10 =	sld [smem:$0x3FBA]  }
0x39: {  	_ = 	snop;
	(pc) =	sbr.ind lr, $3  }
0x3a: {  	_ = 	snop  }
0x3b: {  	_ = 	snop  }
0x3c: {  	p2 =	seq.s32 s10, $0x1;
	s10 =	sld [smem:$0x3FB9]  }
0x3d: {  	_ =	shalt  }
0x3e: {  	_ =	shalt  }
0x3f: {  	_ =	shalt  }
0x40: {  	_ =	shalt  }
0x41: {  	_ =	shalt  }
0x42: {  	_ =	shalt  }
0x43: {  	_ =	shalt  }
0x44: {  	_ =	shalt  }
0x45: {  	_ =	shalt  }
0x46: {  	_ =	shalt  }
0x47: {  	_ =	shalt  }
0x48: {  	_ =	shalt  }
0x49: {  	_ =	shalt  }
0x4a: {  	_ =	shalt  }
0x4b: {  	_ =	shalt  }
0x4c: {  	_ =	shalt  }
0x4d: {  	_ =	shalt  }
0x4e: {  	_ =	shalt  }
0x4f: {  	_ =	shalt  }
0x50: {  	_ =	shalt  }
0x51: {  	_ =	shalt  }
0x52: {  	_ =	shalt  }
0x53: {  	_ =	shalt  }
0x54: {  	_ =	shalt  }
0x55: {  	_ =	shalt  }
0x56: {  	_ =	shalt  }
0x57: {  	_ =	shalt  }
0x58: {  	_ =	shalt  }
0x59: {  	_ =	shalt  }
0x5a: {  	_ =	shalt  }
0x5b: {  	_ =	shalt  }
0x5c: {  	_ =	shalt  }
0x5d: {  	_ =	shalt  }
0x5e: {  	_ =	shalt  }
0x5f: {  	_ =	shalt  }
0x60: {  	_ =	shalt  }
0x61: {  	_ =	shalt  }
0x62: {  	_ =	shalt  }
0x63: {  	_ =	shalt  }
0x64: {  	_ =	shalt  }
0x65: {  	_ =	shalt  }
0x66: {  	_ =	shalt  }
0x67: {  	_ =	shalt  }
0x68: {  	_ =	shalt  }
0x69: {  	_ =	shalt  }
0x6a: {  	_ =	shalt  }
0x6b: {  	_ =	shalt  }
0x6c: {  	_ =	shalt  }
0x6d: {  	_ =	shalt  }
0x6e: {  	_ =	shalt  }
0x6f: {  	_ =	shalt  }
0x70: {  	_ =	shalt  }
0x71: {  	_ =	shalt  }
0x72: {  	_ =	shalt  }
0x73: {  	_ =	shalt  }
0x74: {  	_ =	shalt  }
0x75: {  	_ =	shalt  }
0x76: {  	_ =	shalt  }
0x77: {  	_ =	shalt  }
0x78: {  	_ =	shalt  }
0x79: {  	_ =	shalt  }
0x7a: {  	_ =	shalt  }
0x7b: {  	_ =	shalt  }
0x7c: {  	_ =	shalt  }
0x7d: {  	_ =	shalt  }
0x7e: {  	_ =	shalt  }
0x7f: {  	_ =	shalt  }
0x80: {  	_ =	shalt  }
0x81: {  	_ =	shalt  }
0x82: {  	_ =	shalt  }
0x83: {  	_ =	shalt  }
0x84: {  	_ =	shalt  }
0x85: {  	_ =	shalt  }
0x86: {  	_ =	shalt  }
0x87: {  	_ =	shalt  }
.Lfunc_end0:
.L_simem_size_0:
called_computation_lowered:
.L_overlay_start_0:
0x88: {  	s2 =	sld [smem:$0x3FD9]  }
0x89: {  	s3 =	sld [smem:$0x3FFE];
	_ =	sdelay $0x1  }
0x8a: {  	s1 =	srdreg.scid  }
0x8b: {  	s0 =	sand.u32 $0x1, s1  }
0x8c: {  	s14 =	sshll.u32 s0, $0xA;
	s2 =	sadd.s32 s3, s2  }
0x8d: {  	s2 =	sadd.s32 s2, s14  }
0x8e: {  	[smem:$0x3FC5] =	sst s2  }
0x8f: {  	_ = 	snop  }
0x90: {  	s2 =	sld [smem:$0x3FD0];
	_ =	sdelay $0x2  }
0x91: {  	s15 =	simm.s32 $0xA;
	s4 =	simm.s32 $0x10  }
0x92: {  	[smem:s4], [sflag:s15] =	dma.local [hbm:s2], $0x1  }
0x93: {  	_ =	swait.eq [sflag:s15], $0x1  }
0x94: {  	[sflag:s15] =	ssyncset.done $0x0  }
0x95: {  	[sflag:s15] =	ssyncadd.s32 $0xFFFFFFFF  }
0x96: {  	s16 =	sld [smem:$0x10];
	(tm) =	ssettm $0x1  }
0x97: {  	s17 =	sld [smem:$0x3FFB];
	_ =	sdelay $0x3  }
0x98: {  	_ =	strace s17  }
0x99: {  	s3 =	sld [smem:$0x3FFC];
	_ =	sdelay $0x3  }
0x9a: {  	_ =	strace s3  }
0x9b: {  	s3 =	sld [smem:$0x3FFD];
	_ =	sdelay $0x3  }
0x9c: {  	_ =	strace s3  }
0x9d: {  	_ =	strace $0x8FFFFFFF  }
0x9e: {  	s18 =	sld [smem:$0x3FDB];
	_ =	sdelay $0x1  }
0x9f: {  	s19 =	simm.s32 $_scs_section_size  }
0xa0: {  	s5 =	simm.s32 $_size__tile_overlayer_lowered;
	s6 =	simm.s32 $_tile_overlayer_lowered  }
0xa1: {  	s22 =	simm.s32 $0x1BFF;
	s21 =	sshll.u32 s6, $0x1;
	s3 =	sadd.s32 s19, s18  }
0xa2: {  	s7 =	simm.s32 $0x0;
	s20 =	sshll.u32 s5, $0x1;
	s5 =	sadd.s32 s21, s3  }
0xa3: {  	[timem:s7], [sflag:s22] =	dma.local [hbm:s5], s20  }
0xa4: {  	_ =	swait.ge [sflag:s22], s20  }
0xa5: {  	s4 =	ssub.s32 $0x0, s20;
	[sflag:s22] =	ssyncset.done $0x0  }
0xa6: {  	[sflag:s22] =	ssyncadd.s32 s4;
	_ =	sdelay $0x1  }
0xa7: {  	s23 =	simm.s32 $0x1B8B  }
0xa8: {  	_ =	swait.ge [sflag:s23], $0x1  }
0xa9: {  	[sflag:s23] =	ssyncset.done $0x0  }
0xaa: {  	s25 =	simm.s32 $0x1B8E;
	s24 =	sld [smem:$0x3FFE];
	[sflag:s23] =	ssyncadd.s32 $0xFFFFFFFF  }
0xab: {  	s26 =	simm.s32 $execute0_lowered;
	[smem:$0x3FD2] =	sst s25  }
0xac: {  	s5 =	sshll.u32 s26, $0x1;
	_ =	strace $0x80000046;
	[dreg:$0x1] =	wrdreg $0xFFFFFFFF  }
0xad: {  	s28 =	simm.s32 $_size_execute0_lowered;
	s3 =	sadd.s32 s3, s5;
	[dreg:$0x0] =	wrdreg $0x0  }
0xae: {  	s5 =	sshll.u32 s28, $0x1;
	[dreg:$0x2] =	wrdreg s3  }
0xaf: {  	[dreg:$0x3] =	wrdreg s5  }
0xb0: {  	[dreg:$0x4] =	wrdreg $0xC0  }
0xb1: {  	_ =	task [dreg:s7], $0x5FFFF  }
0xb2: {  	[dreg:$0x1] =	wrdreg $0xFFFFFFFF  }
0xb3: {  	[dreg:$0x0] =	wrdreg $0x60  }
0xb4: {  	[dreg:$0x2] =	wrdreg s16  }
0xb5: {  	[dreg:$0x3] =	wrdreg s24  }
0xb6: {  	[dreg:$0x4] =	wrdreg $0x9  }
0xb7: {  	_ =	task.clear_ibuf [dreg:s7], $0x5FFFF;
	_ =	strace $0x90000046  }
0xb8: {  	s29 =	simm.s32 $0x9;
	_ =	strace $0x80000048  }
0xb9: {  	_ =	swait.ge [sflag:s29], $0x1  }
0xba: {  	[sflag:s29] =	ssyncadd.s32 $0xFFFFFFFF  }
0xbb: {  	_ =	strace $0x90000048  }
0xbc: {  	_ =	sfence  }
0xbd: {  	s30 =	sld [smem:$0x0];
	_ =	sdelay $0x2  }
0xbe: {  	s31 =	sshll.u32 s1, $0xD;
	s1 =	sshrl.u32 s1, $0x2  }
0xbf: {  	s3 =	sand.u32 $0x4000, s31;
	s1 =	sadd.s32 s1, s30  }
0xc0: {  	s0 =	sor.u32 s3, s0;
	s1 =	sshll.u32 s1, $0x11  }
0xc1: {  	s0 =	sor.u32 s1, s0  }
0xc2: {  	s0 =	sadd.s32 $0x8F2B, s0  }
0xc3: {  	[sflag:s0] =	ssyncadd.remote.s32 $0x1  }
0xc4: {  	_ =	sfence.sel $0xFFFF  }
0xc5: {  	[dreg:$0x0] =	wrdreg $0xFFFFFFFF;
	(pc) =	sbr.abs _section_cstart, $3  }
0xc6: {  	[dreg:$0x1] =	wrdreg $0xFFFFFFFF  }
0xc7: {  	_ =	task.clear_ibuf [dreg:s7], $0x2FFFF;
	_ =	strace $0x9FFFFFFF  }
0xc8: {  	(tm) =	ssettm $0x7FFFFFFF  }
0xc9: {  	_ =	shalt  }
tec
execute0_lowered:
.L_overlay_start_1:
0x0: {  	(tag) =	ssettag $0x1  }
0x1: {  	s2 =	rddreg [dreg:$0x0];
	s0 =	srdreg.scid  }
0x2: {  	s3 =	stileid.u32;
	s1 =	rddreg [dreg:$0x1];
	s16 =	simm.s32 $0x2  }
0x3: {  	s17 =	simm.s32 $0x80;
	s18 =	simm.s32 $0x880;
	s19 =	simm.s32 $0x1080  }
0x4: {  	s28 =	simm.s32 $0x5080;
	s29 =	simm.s32 $0x5880;
	s30 =	simm.s32 $0x6080  }
0x5: {  	s31 =	simm.s32 $0x6880;
	s0 =	sand.u32 $0x1, s0;
	s4 =	sshll.u32 s3, $0x1  }
0x6: {  	s3 =	simm.s32 $0x0;
	s11 =	sadd.s32 $0x400, s1;
	s5 =	sadd.s32 $0x100, s2  }
0x7: {  	s6 =	sadd.s32 $0x200, s2;
	s7 =	sadd.s32 $0x300, s2;
	s9 =	sor.u32 s0, s4  }
0x8: {  	[smem:$0x7FF] =	sst s3;
	s0 =	ssub.s32 $0x2, s0;
	s10 =	smul.u32 $0xA0, s9  }
0x9: {  	_ =	strace $0x80000047;
	s20 =	sshrl.u32 s0, $0x1;
	s8 =	smul.u32 $0x5000, s9  }
0xa: {  	p0 =	seq.s32 s9, $0x1F;
	s9 =	simm.s32 $0x8080;
	s0 =	ssub.s32 s0, s20  }
0xb: {  	s20 =	simm.s32 $0x1880;
	s21 =	sshrl.u32 s10, $0x3;
	s12 =	sadd.s32 $0x28, s10  }
0xc: {  	s8 =	sadd.s32 s11, s8;
	s14 =	sadd.s32 $0x50, s10;
	s10 =	sadd.s32 $0x78, s10  }
0xd: {  	s15 =	smax.u32 s0, $0x1;
	s0 =	simm.s32 $0x7880;
	s4 =	sadd.s32 s1, s21  }
0xe: {  	s13 =	sshrl.u32 s12, $0x3;
	s12 =	sshll.u32 s12, $0x7;
	s22 =	sshrl.u32 s14, $0x3  }
0xf: {  	s24 =	sshll.u32 s14, $0x7;
	s25 =	sshrl.u32 s10, $0x3;
	s10 =	sshll.u32 s10, $0x7  }
0x10: {  	s21 =	simm.s32 $0x2080;
	s13 =	sadd.s32 s1, s13;
	s12 =	sadd.s32 s11, s12  }
0x11: {  	s23 =	sadd.s32 s1, s22;
	s1 =	sadd.s32 s1, s25;
	[dreg:$0x3] =	wrdreg s13  }
0x12: {  	s26 =	sadd.s32 s11, s10;
	s22 =	simm.s32 $0x2880;
	[dreg:$0x4] =	wrdreg s12  }
.Ltmp0:
0x13: {  	s25 =	simm.s32 $0x4080;
	[dreg:$0x5] =	wrdreg s23;
	(pc) =	sbr.rel .LBB2_1-.Ltmp0, $4  }
0x14: {  	s10 =	simm.s32 $0x8880;
	s12 =	sadd.s32 s11, s24;
	[dreg:$0x7] =	wrdreg s1  }
0x15: {  	v2 =	vlaneseq.u32;
	[dreg:$0x8] =	wrdreg s26;
	s23 =	simm.s32 $0x3080;
	s24 =	simm.s32 $0x3880  }
0x16: {  	vm0 =	vmmov $0xffff;
	v1 =	vshrl.u32 v2, $0x3;
	s26 =	simm.s32 $0x4880;
	s1 =	simm.s32 $0x7080;
	s11 =	simm.s32 $0x9080  }
0x17: {  	v0 =	vand.u32 $0x7, v2;
	v2 =	vor.u32 $0x8, v2;
	v1 =	vmul.u32 $0x8, v1;
	s13 =	simm.s32 $0x1;
	[dreg:$0x6] =	wrdreg s12;
	s12 =	simm.s32 $0x9880  }
.LBB2_3:
0x18: {  	s15 =	sadd.s32 $0xFFFFFFFF, s15  }
0x19: {  	p1 =	sne.s32 s15, $0x0  }
.Ltmp1:
0x1a: {  	_ = 	snop;
	(pc) =	sbr.rel @!p1 .LBB2_4-.Ltmp1, $1  }
0x1b: {  	_ =	sdelay $0x3  }
.LBB2_1:
0x1c: {  	[tilespmem:s3], [sflag:$0x2] =	stream.linear.gather [hbm4b:s4+s3], $0x28, $0x38;
	[tilespmem:$0xA080] =	vst v63  }
0x1d: {  	_ =	swait.ge [sflag:s16], $0x28  }
0x1e: {  	[sflag:s16] =	ssyncset.done $0x0  }
0x1f: {  	[sflag:s16] =	ssyncadd.s32 $0xFFFFFFD8  }
0x20: {  	v3 =	vld [tilespmem:$0x0];
	_ =	sdelay $0x4  }
0x21: {  	v4 =	vshll.u32 v3, $0x3  }
0x22: {  	v3 =	vand.u32 $0x7, v3;
	v4 =	vand.u32 $0xFFFFFFC0, v4  }
0x23: {  	v3 =	vor.u32 v3, v4  }
0x24: {  	v4 =	vperm.xlane v3, v0;
	_ =	sdelay $0x1  }
0x25: {  	v4 =	vadd.s32 v1, v4;
	_ =	sdelay $0x4  }
0x26: {  	[tilespmem:s17], [sflag:$0x1] =	stream.indirect_vreg.gather [hbm4b:s2+s3], $0x80, v4, vm0, $0xb8;
	[tilespmem:$0xA080] =	vst v63  }
0x27: {  	v3 =	vperm.xlane v3, v2  }
0x28: {  	[tilespmem:s18], [sflag:$0x1] =	stream.indirect_vreg.gather [hbm4b:s5+s3], $0x80, v4, vm0, $0xb8;
	[tilespmem:$0xA080] =	vst v63  }
0x29: {  	v3 =	vadd.s32 v1, v3  }
0x2a: {  	[tilespmem:s19], [sflag:$0x1] =	stream.indirect_vreg.gather [hbm4b:s6+s3], $0x80, v4, vm0, $0xb8;
	[tilespmem:$0xA080] =	vst v63  }
0x2b: {  	_ = 	snop  }
0x2c: {  	[tilespmem:s20], [sflag:$0x1] =	stream.indirect_vreg.gather [hbm4b:s7+s3], $0x80, v4, vm0, $0xb8;
	[tilespmem:$0xA080] =	vst v63  }
0x2d: {  	_ = 	snop  }
0x2e: {  	[tilespmem:s21], [sflag:$0x1] =	stream.indirect_vreg.gather [hbm4b:s2+s3], $0x80, v3, vm0, $0xb8;
	[tilespmem:$0xA080] =	vst v63  }
0x2f: {  	_ = 	snop  }
0x30: {  	[tilespmem:s22], [sflag:$0x1] =	stream.indirect_vreg.gather [hbm4b:s5+s3], $0x80, v3, vm0, $0xb8;
	[tilespmem:$0xA080] =	vst v63  }
0x31: {  	_ = 	snop  }
0x32: {  	[tilespmem:s23], [sflag:$0x1] =	stream.indirect_vreg.gather [hbm4b:s6+s3], $0x80, v3, vm0, $0xb8;
	[tilespmem:$0xA080] =	vst v63  }
0x33: {  	_ = 	snop  }
0x34: {  	[tilespmem:s24], [sflag:$0x1] =	stream.indirect_vreg.gather [hbm4b:s7+s3], $0x80, v3, vm0, $0xb8;
	[tilespmem:$0xA080] =	vst v63  }
0x35: {  	v3 =	vld [tilespmem:$0x10];
	_ =	sdelay $0x4  }
0x36: {  	v62 =	vshll.u32 v3, $0x3  }
0x37: {  	v3 =	vand.u32 $0x7, v3;
	v4 =	vand.u32 $0xFFFFFFC0, v62  }
0x38: {  	v3 =	vor.u32 v3, v4  }
0x39: {  	v4 =	vperm.xlane v3, v0;
	_ =	sdelay $0x1  }
0x3a: {  	v4 =	vadd.s32 v1, v4;
	_ =	sdelay $0x4  }
0x3b: {  	[tilespmem:s25], [sflag:$0x1] =	stream.indirect_vreg.gather [hbm4b:s2+s3], $0x80, v4, vm0, $0xb8;
	[tilespmem:$0xA080] =	vst v63  }
0x3c: {  	v3 =	vperm.xlane v3, v2  }
0x3d: {  	[tilespmem:s26], [sflag:$0x1] =	stream.indirect_vreg.gather [hbm4b:s5+s3], $0x80, v4, vm0, $0xb8;
	[tilespmem:$0xA080] =	vst v63  }
0x3e: {  	v3 =	vadd.s32 v1, v3  }
0x3f: {  	[tilespmem:s28], [sflag:$0x1] =	stream.indirect_vreg.gather [hbm4b:s6+s3], $0x80, v4, vm0, $0xb8;
	[tilespmem:$0xA080] =	vst v63  }
0x40: {  	_ = 	snop  }
0x41: {  	[tilespmem:s29], [sflag:$0x1] =	stream.indirect_vreg.gather [hbm4b:s7+s3], $0x80, v4, vm0, $0xb8;
	[tilespmem:$0xA080] =	vst v63  }
0x42: {  	_ = 	snop  }
0x43: {  	[tilespmem:s30], [sflag:$0x1] =	stream.indirect_vreg.gather [hbm4b:s2+s3], $0x80, v3, vm0, $0xb8;
	[tilespmem:$0xA080] =	vst v63  }
0x44: {  	_ = 	snop  }
0x45: {  	[tilespmem:s31], [sflag:$0x1] =	stream.indirect_vreg.gather [hbm4b:s5+s3], $0x80, v3, vm0, $0xb8;
	[tilespmem:$0xA080] =	vst v63  }
0x46: {  	_ = 	snop  }
0x47: {  	[tilespmem:s1], [sflag:$0x1] =	stream.indirect_vreg.gather [hbm4b:s6+s3], $0x80, v3, vm0, $0xb8;
	[tilespmem:$0xA080] =	vst v63  }
0x48: {  	_ = 	snop  }
0x49: {  	[tilespmem:s0], [sflag:$0x1] =	stream.indirect_vreg.gather [hbm4b:s7+s3], $0x80, v3, vm0, $0xb8;
	[tilespmem:$0xA080] =	vst v63  }
0x4a: {  	v3 =	vld.msk [tilespmem:$0x20], $0xff;
	_ =	sdelay $0x4  }
0x4b: {  	v63 =	vshll.u32 v3, $0x3  }
0x4c: {  	v3 =	vand.u32 $0x7, v3;
	v4 =	vand.u32 $0xFFFFFFC0, v63  }
0x4d: {  	v3 =	vor.u32 v3, v4  }
0x4e: {  	v3 =	vperm.xlane v3, v0;
	_ =	sdelay $0x1  }
0x4f: {  	v3 =	vadd.s32 v1, v3;
	_ =	sdelay $0x4  }
0x50: {  	[tilespmem:s9], [sflag:$0x1] =	stream.indirect_vreg.gather [hbm4b:s2+s3], $0x80, v3, vm0, $0xb8;
	[tilespmem:$0xA080] =	vst v63  }
0x51: {  	_ = 	snop  }
0x52: {  	[tilespmem:s10], [sflag:$0x1] =	stream.indirect_vreg.gather [hbm4b:s5+s3], $0x80, v3, vm0, $0xb8;
	[tilespmem:$0xA080] =	vst v63  }
0x53: {  	_ = 	snop  }
0x54: {  	[tilespmem:s11], [sflag:$0x1] =	stream.indirect_vreg.gather [hbm4b:s6+s3], $0x80, v3, vm0, $0xb8;
	[tilespmem:$0xA080] =	vst v63  }
0x55: {  	_ = 	snop  }
0x56: {  	[tilespmem:s12], [sflag:$0x1] =	stream.indirect_vreg.gather [hbm4b:s7+s3], $0x80, v3, vm0, $0xb8;
	[tilespmem:$0xA080] =	vst v63  }
0x57: {  	_ =	swait.ge [sflag:s13], $0xA000  }
0x58: {  	[sflag:s13] =	ssyncset.done $0x0  }
.Ltmp2:
0x59: {  	[sflag:s13] =	ssyncadd.s32 $0xFFFF6000;
	(pc) =	sbr.rel @p0 .LBB2_3-.Ltmp2, $4  }
0x5a: {  	[hbm4b:s8+s3] =	stream.linear.scatter [tilespmem:s17], [sflag:$0x2], $0xA000, $0x38;
	[tilespmem:$0xA080] =	vst v63  }
0x5b: {  	_ =	swait.ge [sflag:s16], $0xA000  }
0x5c: {  	[sflag:s16] =	ssyncset.done $0x0  }
0x5d: {  	[sflag:s16] =	ssyncadd.s32 $0xFFFF6000  }
0x5e: {  	s14 =	rddreg [dreg:$0x3]  }
0x5f: {  	[tilespmem:s3], [sflag:$0x2] =	stream.linear.gather [hbm4b:s14+s3], $0x28, $0x38;
	[tilespmem:$0xA080] =	vst v63  }
0x60: {  	_ =	swait.ge [sflag:s16], $0x28  }
0x61: {  	[sflag:s16] =	ssyncset.done $0x0  }
0x62: {  	[sflag:s16] =	ssyncadd.s32 $0xFFFFFFD8  }
0x63: {  	v3 =	vld [tilespmem:$0x0];
	_ =	sdelay $0x4  }
0x64: {  	v4 =	vshll.u32 v3, $0x3  }
0x65: {  	v3 =	vand.u32 $0x7, v3;
	v4 =	vand.u32 $0xFFFFFFC0, v4  }
0x66: {  	v3 =	vor.u32 v3, v4  }
0x67: {  	v4 =	vperm.xlane v3, v0;
	_ =	sdelay $0x1  }
0x68: {  	v4 =	vadd.s32 v1, v4;
	_ =	sdelay $0x4  }
0x69: {  	[tilespmem:s17], [sflag:$0x1] =	stream.indirect_vreg.gather [hbm4b:s2+s3], $0x80, v4, vm0, $0xb8;
	[tilespmem:$0xA080] =	vst v63  }
0x6a: {  	v3 =	vperm.xlane v3, v2  }
0x6b: {  	[tilespmem:s18], [sflag:$0x1] =	stream.indirect_vreg.gather [hbm4b:s5+s3], $0x80, v4, vm0, $0xb8;
	[tilespmem:$0xA080] =	vst v63  }
0x6c: {  	v3 =	vadd.s32 v1, v3  }
0x6d: {  	[tilespmem:s19], [sflag:$0x1] =	stream.indirect_vreg.gather [hbm4b:s6+s3], $0x80, v4, vm0, $0xb8;
	[tilespmem:$0xA080] =	vst v63  }
0x6e: {  	_ = 	snop  }
0x6f: {  	[tilespmem:s20], [sflag:$0x1] =	stream.indirect_vreg.gather [hbm4b:s7+s3], $0x80, v4, vm0, $0xb8;
	[tilespmem:$0xA080] =	vst v63  }
0x70: {  	_ = 	snop  }
0x71: {  	[tilespmem:s21], [sflag:$0x1] =	stream.indirect_vreg.gather [hbm4b:s2+s3], $0x80, v3, vm0, $0xb8;
	[tilespmem:$0xA080] =	vst v63  }
0x72: {  	_ = 	snop  }
0x73: {  	[tilespmem:s22], [sflag:$0x1] =	stream.indirect_vreg.gather [hbm4b:s5+s3], $0x80, v3, vm0, $0xb8;
	[tilespmem:$0xA080] =	vst v63  }
0x74: {  	_ = 	snop  }
0x75: {  	[tilespmem:s23], [sflag:$0x1] =	stream.indirect_vreg.gather [hbm4b:s6+s3], $0x80, v3, vm0, $0xb8;
	[tilespmem:$0xA080] =	vst v63  }
0x76: {  	_ = 	snop  }
0x77: {  	[tilespmem:s24], [sflag:$0x1] =	stream.indirect_vreg.gather [hbm4b:s7+s3], $0x80, v3, vm0, $0xb8;
	[tilespmem:$0xA080] =	vst v63  }
0x78: {  	v3 =	vld [tilespmem:$0x10];
	_ =	sdelay $0x4  }
0x79: {  	v56 =	vshll.u32 v3, $0x3  }
0x7a: {  	v3 =	vand.u32 $0x7, v3;
	v4 =	vand.u32 $0xFFFFFFC0, v56  }
0x7b: {  	v3 =	vor.u32 v3, v4  }
0x7c: {  	v4 =	vperm.xlane v3, v0;
	_ =	sdelay $0x1  }
0x7d: {  	v4 =	vadd.s32 v1, v4;
	_ =	sdelay $0x4  }
0x7e: {  	[tilespmem:s25], [sflag:$0x1] =	stream.indirect_vreg.gather [hbm4b:s2+s3], $0x80, v4, vm0, $0xb8;
	[tilespmem:$0xA080] =	vst v63  }
0x7f: {  	v3 =	vperm.xlane v3, v2  }
0x80: {  	[tilespmem:s26], [sflag:$0x1] =	stream.indirect_vreg.gather [hbm4b:s5+s3], $0x80, v4, vm0, $0xb8;
	[tilespmem:$0xA080] =	vst v63  }
0x81: {  	v3 =	vadd.s32 v1, v3  }
0x82: {  	[tilespmem:s28], [sflag:$0x1] =	stream.indirect_vreg.gather [hbm4b:s6+s3], $0x80, v4, vm0, $0xb8;
	[tilespmem:$0xA080] =	vst v63  }
0x83: {  	_ = 	snop  }
0x84: {  	[tilespmem:s29], [sflag:$0x1] =	stream.indirect_vreg.gather [hbm4b:s7+s3], $0x80, v4, vm0, $0xb8;
	[tilespmem:$0xA080] =	vst v63  }
0x85: {  	_ = 	snop  }
0x86: {  	[tilespmem:s30], [sflag:$0x1] =	stream.indirect_vreg.gather [hbm4b:s2+s3], $0x80, v3, vm0, $0xb8;
	[tilespmem:$0xA080] =	vst v63  }
0x87: {  	_ = 	snop  }
0x88: {  	[tilespmem:s31], [sflag:$0x1] =	stream.indirect_vreg.gather [hbm4b:s5+s3], $0x80, v3, vm0, $0xb8;
	[tilespmem:$0xA080] =	vst v63  }
0x89: {  	_ = 	snop  }
0x8a: {  	[tilespmem:s1], [sflag:$0x1] =	stream.indirect_vreg.gather [hbm4b:s6+s3], $0x80, v3, vm0, $0xb8;
	[tilespmem:$0xA080] =	vst v63  }
0x8b: {  	_ = 	snop  }
0x8c: {  	[tilespmem:s0], [sflag:$0x1] =	stream.indirect_vreg.gather [hbm4b:s7+s3], $0x80, v3, vm0, $0xb8;
	[tilespmem:$0xA080] =	vst v63  }
0x8d: {  	v3 =	vld.msk [tilespmem:$0x20], $0xff;
	_ =	sdelay $0x4  }
0x8e: {  	v57 =	vshll.u32 v3, $0x3  }
0x8f: {  	v3 =	vand.u32 $0x7, v3;
	v4 =	vand.u32 $0xFFFFFFC0, v57  }
0x90: {  	v3 =	vor.u32 v3, v4  }
0x91: {  	v3 =	vperm.xlane v3, v0;
	_ =	sdelay $0x1  }
0x92: {  	v3 =	vadd.s32 v1, v3;
	_ =	sdelay $0x4  }
0x93: {  	[tilespmem:s9], [sflag:$0x1] =	stream.indirect_vreg.gather [hbm4b:s2+s3], $0x80, v3, vm0, $0xb8;
	[tilespmem:$0xA080] =	vst v63  }
0x94: {  	_ = 	snop  }
0x95: {  	[tilespmem:s10], [sflag:$0x1] =	stream.indirect_vreg.gather [hbm4b:s5+s3], $0x80, v3, vm0, $0xb8;
	[tilespmem:$0xA080] =	vst v63  }
0x96: {  	_ = 	snop  }
0x97: {  	[tilespmem:s11], [sflag:$0x1] =	stream.indirect_vreg.gather [hbm4b:s6+s3], $0x80, v3, vm0, $0xb8;
	[tilespmem:$0xA080] =	vst v63  }
0x98: {  	_ = 	snop  }
0x99: {  	[tilespmem:s12], [sflag:$0x1] =	stream.indirect_vreg.gather [hbm4b:s7+s3], $0x80, v3, vm0, $0xb8;
	[tilespmem:$0xA080] =	vst v63  }
0x9a: {  	_ =	swait.ge [sflag:s13], $0xA000  }
0x9b: {  	[sflag:s13] =	ssyncset.done $0x0  }
0x9c: {  	s14 =	rddreg [dreg:$0x4];
	[sflag:s13] =	ssyncadd.s32 $0xFFFF6000  }
0x9d: {  	[hbm4b:s14+s3] =	stream.linear.scatter [tilespmem:s17], [sflag:$0x2], $0xA000, $0x38;
	[tilespmem:$0xA080] =	vst v63  }
0x9e: {  	_ =	swait.ge [sflag:s16], $0xA000  }
0x9f: {  	[sflag:s16] =	ssyncset.done $0x0  }
0xa0: {  	s14 =	rddreg [dreg:$0x5];
	[sflag:s16] =	ssyncadd.s32 $0xFFFF6000  }
0xa1: {  	[tilespmem:s3], [sflag:$0x2] =	stream.linear.gather [hbm4b:s14+s3], $0x28, $0x38;
	[tilespmem:$0xA080] =	vst v63  }
0xa2: {  	_ =	swait.ge [sflag:s16], $0x28  }
0xa3: {  	[sflag:s16] =	ssyncset.done $0x0  }
0xa4: {  	[sflag:s16] =	ssyncadd.s32 $0xFFFFFFD8  }
0xa5: {  	v3 =	vld [tilespmem:$0x0];
	_ =	sdelay $0x4  }
0xa6: {  	v58 =	vshll.u32 v3, $0x3  }
0xa7: {  	v3 =	vand.u32 $0x7, v3;
	v4 =	vand.u32 $0xFFFFFFC0, v58  }
0xa8: {  	v3 =	vor.u32 v3, v4  }
0xa9: {  	v4 =	vperm.xlane v3, v0;
	_ =	sdelay $0x1  }
0xaa: {  	v4 =	vadd.s32 v1, v4;
	_ =	sdelay $0x4  }
0xab: {  	[tilespmem:s17], [sflag:$0x1] =	stream.indirect_vreg.gather [hbm4b:s2+s3], $0x80, v4, vm0, $0xb8;
	[tilespmem:$0xA080] =	vst v63  }
0xac: {  	v3 =	vperm.xlane v3, v2  }
0xad: {  	[tilespmem:s18], [sflag:$0x1] =	stream.indirect_vreg.gather [hbm4b:s5+s3], $0x80, v4, vm0, $0xb8;
	[tilespmem:$0xA080] =	vst v63  }
0xae: {  	v3 =	vadd.s32 v1, v3  }
0xaf: {  	[tilespmem:s19], [sflag:$0x1] =	stream.indirect_vreg.gather [hbm4b:s6+s3], $0x80, v4, vm0, $0xb8;
	[tilespmem:$0xA080] =	vst v63  }
0xb0: {  	_ = 	snop  }
0xb1: {  	[tilespmem:s20], [sflag:$0x1] =	stream.indirect_vreg.gather [hbm4b:s7+s3], $0x80, v4, vm0, $0xb8;
	[tilespmem:$0xA080] =	vst v63  }
0xb2: {  	_ = 	snop  }
0xb3: {  	[tilespmem:s21], [sflag:$0x1] =	stream.indirect_vreg.gather [hbm4b:s2+s3], $0x80, v3, vm0, $0xb8;
	[tilespmem:$0xA080] =	vst v63  }
0xb4: {  	_ = 	snop  }
0xb5: {  	[tilespmem:s22], [sflag:$0x1] =	stream.indirect_vreg.gather [hbm4b:s5+s3], $0x80, v3, vm0, $0xb8;
	[tilespmem:$0xA080] =	vst v63  }
0xb6: {  	_ = 	snop  }
0xb7: {  	[tilespmem:s23], [sflag:$0x1] =	stream.indirect_vreg.gather [hbm4b:s6+s3], $0x80, v3, vm0, $0xb8;
	[tilespmem:$0xA080] =	vst v63  }
0xb8: {  	_ = 	snop  }
0xb9: {  	[tilespmem:s24], [sflag:$0x1] =	stream.indirect_vreg.gather [hbm4b:s7+s3], $0x80, v3, vm0, $0xb8;
	[tilespmem:$0xA080] =	vst v63  }
0xba: {  	v3 =	vld [tilespmem:$0x10];
	_ =	sdelay $0x4  }
0xbb: {  	v59 =	vshll.u32 v3, $0x3  }
0xbc: {  	v3 =	vand.u32 $0x7, v3;
	v4 =	vand.u32 $0xFFFFFFC0, v59  }
0xbd: {  	v3 =	vor.u32 v3, v4  }
0xbe: {  	v4 =	vperm.xlane v3, v0;
	_ =	sdelay $0x1  }
0xbf: {  	v4 =	vadd.s32 v1, v4;
	_ =	sdelay $0x4  }
0xc0: {  	[tilespmem:s25], [sflag:$0x1] =	stream.indirect_vreg.gather [hbm4b:s2+s3], $0x80, v4, vm0, $0xb8;
	[tilespmem:$0xA080] =	vst v63  }
0xc1: {  	v3 =	vperm.xlane v3, v2  }
0xc2: {  	[tilespmem:s26], [sflag:$0x1] =	stream.indirect_vreg.gather [hbm4b:s5+s3], $0x80, v4, vm0, $0xb8;
	[tilespmem:$0xA080] =	vst v63  }
0xc3: {  	v3 =	vadd.s32 v1, v3  }
0xc4: {  	[tilespmem:s28], [sflag:$0x1] =	stream.indirect_vreg.gather [hbm4b:s6+s3], $0x80, v4, vm0, $0xb8;
	[tilespmem:$0xA080] =	vst v63  }
0xc5: {  	_ = 	snop  }
0xc6: {  	[tilespmem:s29], [sflag:$0x1] =	stream.indirect_vreg.gather [hbm4b:s7+s3], $0x80, v4, vm0, $0xb8;
	[tilespmem:$0xA080] =	vst v63  }
0xc7: {  	_ = 	snop  }
0xc8: {  	[tilespmem:s30], [sflag:$0x1] =	stream.indirect_vreg.gather [hbm4b:s2+s3], $0x80, v3, vm0, $0xb8;
	[tilespmem:$0xA080] =	vst v63  }
0xc9: {  	_ = 	snop  }
0xca: {  	[tilespmem:s31], [sflag:$0x1] =	stream.indirect_vreg.gather [hbm4b:s5+s3], $0x80, v3, vm0, $0xb8;
	[tilespmem:$0xA080] =	vst v63  }
0xcb: {  	_ = 	snop  }
0xcc: {  	[tilespmem:s1], [sflag:$0x1] =	stream.indirect_vreg.gather [hbm4b:s6+s3], $0x80, v3, vm0, $0xb8;
	[tilespmem:$0xA080] =	vst v63  }
0xcd: {  	_ = 	snop  }
0xce: {  	[tilespmem:s0], [sflag:$0x1] =	stream.indirect_vreg.gather [hbm4b:s7+s3], $0x80, v3, vm0, $0xb8;
	[tilespmem:$0xA080] =	vst v63  }
0xcf: {  	v3 =	vld.msk [tilespmem:$0x20], $0xff;
	_ =	sdelay $0x4  }
0xd0: {  	v60 =	vshll.u32 v3, $0x3  }
0xd1: {  	v3 =	vand.u32 $0x7, v3;
	v4 =	vand.u32 $0xFFFFFFC0, v60  }
0xd2: {  	v3 =	vor.u32 v3, v4  }
0xd3: {  	v3 =	vperm.xlane v3, v0;
	_ =	sdelay $0x1  }
0xd4: {  	v3 =	vadd.s32 v1, v3;
	_ =	sdelay $0x4  }
0xd5: {  	[tilespmem:s9], [sflag:$0x1] =	stream.indirect_vreg.gather [hbm4b:s2+s3], $0x80, v3, vm0, $0xb8;
	[tilespmem:$0xA080] =	vst v63  }
0xd6: {  	_ = 	snop  }
0xd7: {  	[tilespmem:s10], [sflag:$0x1] =	stream.indirect_vreg.gather [hbm4b:s5+s3], $0x80, v3, vm0, $0xb8;
	[tilespmem:$0xA080] =	vst v63  }
0xd8: {  	_ = 	snop  }
0xd9: {  	[tilespmem:s11], [sflag:$0x1] =	stream.indirect_vreg.gather [hbm4b:s6+s3], $0x80, v3, vm0, $0xb8;
	[tilespmem:$0xA080] =	vst v63  }
0xda: {  	_ = 	snop  }
0xdb: {  	[tilespmem:s12], [sflag:$0x1] =	stream.indirect_vreg.gather [hbm4b:s7+s3], $0x80, v3, vm0, $0xb8;
	[tilespmem:$0xA080] =	vst v63  }
0xdc: {  	_ =	swait.ge [sflag:s13], $0xA000  }
0xdd: {  	[sflag:s13] =	ssyncset.done $0x0  }
0xde: {  	s14 =	rddreg [dreg:$0x6];
	[sflag:s13] =	ssyncadd.s32 $0xFFFF6000  }
0xdf: {  	[hbm4b:s14+s3] =	stream.linear.scatter [tilespmem:s17], [sflag:$0x2], $0xA000, $0x38;
	[tilespmem:$0xA080] =	vst v63  }
0xe0: {  	_ =	swait.ge [sflag:s16], $0xA000  }
0xe1: {  	[sflag:s16] =	ssyncset.done $0x0  }
0xe2: {  	s14 =	rddreg [dreg:$0x7];
	[sflag:s16] =	ssyncadd.s32 $0xFFFF6000  }
0xe3: {  	[tilespmem:s3], [sflag:$0x2] =	stream.linear.gather [hbm4b:s14+s3], $0x28, $0x38;
	[tilespmem:$0xA080] =	vst v63  }
0xe4: {  	_ =	swait.ge [sflag:s16], $0x28  }
0xe5: {  	[sflag:s16] =	ssyncset.done $0x0  }
0xe6: {  	[sflag:s16] =	ssyncadd.s32 $0xFFFFFFD8  }
0xe7: {  	v3 =	vld [tilespmem:$0x0];
	_ =	sdelay $0x4  }
0xe8: {  	v61 =	vshll.u32 v3, $0x3  }
0xe9: {  	v3 =	vand.u32 $0x7, v3;
	v4 =	vand.u32 $0xFFFFFFC0, v61  }
0xea: {  	v3 =	vor.u32 v3, v4  }
0xeb: {  	v4 =	vperm.xlane v3, v0;
	_ =	sdelay $0x1  }
0xec: {  	v4 =	vadd.s32 v1, v4;
	_ =	sdelay $0x4  }
0xed: {  	[tilespmem:s17], [sflag:$0x1] =	stream.indirect_vreg.gather [hbm4b:s2+s3], $0x80, v4, vm0, $0xb8;
	[tilespmem:$0xA080] =	vst v63  }
0xee: {  	v3 =	vperm.xlane v3, v2  }
0xef: {  	[tilespmem:s18], [sflag:$0x1] =	stream.indirect_vreg.gather [hbm4b:s5+s3], $0x80, v4, vm0, $0xb8;
	[tilespmem:$0xA080] =	vst v63  }
0xf0: {  	v3 =	vadd.s32 v1, v3  }
0xf1: {  	[tilespmem:s19], [sflag:$0x1] =	stream.indirect_vreg.gather [hbm4b:s6+s3], $0x80, v4, vm0, $0xb8;
	[tilespmem:$0xA080] =	vst v63  }
0xf2: {  	_ = 	snop  }
0xf3: {  	[tilespmem:s20], [sflag:$0x1] =	stream.indirect_vreg.gather [hbm4b:s7+s3], $0x80, v4, vm0, $0xb8;
	[tilespmem:$0xA080] =	vst v63  }
0xf4: {  	_ = 	snop  }
0xf5: {  	[tilespmem:s21], [sflag:$0x1] =	stream.indirect_vreg.gather [hbm4b:s2+s3], $0x80, v3, vm0, $0xb8;
	[tilespmem:$0xA080] =	vst v63  }
0xf6: {  	_ = 	snop  }
0xf7: {  	[tilespmem:s22], [sflag:$0x1] =	stream.indirect_vreg.gather [hbm4b:s5+s3], $0x80, v3, vm0, $0xb8;
	[tilespmem:$0xA080] =	vst v63  }
0xf8: {  	_ = 	snop  }
0xf9: {  	[tilespmem:s23], [sflag:$0x1] =	stream.indirect_vreg.gather [hbm4b:s6+s3], $0x80, v3, vm0, $0xb8;
	[tilespmem:$0xA080] =	vst v63  }
0xfa: {  	_ = 	snop  }
0xfb: {  	[tilespmem:s24], [sflag:$0x1] =	stream.indirect_vreg.gather [hbm4b:s7+s3], $0x80, v3, vm0, $0xb8;
	[tilespmem:$0xA080] =	vst v63  }
0xfc: {  	v3 =	vld [tilespmem:$0x10];
	_ =	sdelay $0x4  }
0xfd: {  	v62 =	vshll.u32 v3, $0x3  }
0xfe: {  	v3 =	vand.u32 $0x7, v3;
	v4 =	vand.u32 $0xFFFFFFC0, v62  }
0xff: {  	v3 =	vor.u32 v3, v4  }
0x100: {  	v4 =	vperm.xlane v3, v0;
	_ =	sdelay $0x1  }
0x101: {  	v4 =	vadd.s32 v1, v4;
	_ =	sdelay $0x4  }
0x102: {  	[tilespmem:s25], [sflag:$0x1] =	stream.indirect_vreg.gather [hbm4b:s2+s3], $0x80, v4, vm0, $0xb8;
	[tilespmem:$0xA080] =	vst v63  }
0x103: {  	v3 =	vperm.xlane v3, v2  }
0x104: {  	[tilespmem:s26], [sflag:$0x1] =	stream.indirect_vreg.gather [hbm4b:s5+s3], $0x80, v4, vm0, $0xb8;
	[tilespmem:$0xA080] =	vst v63  }
0x105: {  	v3 =	vadd.s32 v1, v3  }
0x106: {  	[tilespmem:s28], [sflag:$0x1] =	stream.indirect_vreg.gather [hbm4b:s6+s3], $0x80, v4, vm0, $0xb8;
	[tilespmem:$0xA080] =	vst v63  }
0x107: {  	_ = 	snop  }
0x108: {  	[tilespmem:s29], [sflag:$0x1] =	stream.indirect_vreg.gather [hbm4b:s7+s3], $0x80, v4, vm0, $0xb8;
	[tilespmem:$0xA080] =	vst v63  }
0x109: {  	_ = 	snop  }
0x10a: {  	[tilespmem:s30], [sflag:$0x1] =	stream.indirect_vreg.gather [hbm4b:s2+s3], $0x80, v3, vm0, $0xb8;
	[tilespmem:$0xA080] =	vst v63  }
0x10b: {  	_ = 	snop  }
0x10c: {  	[tilespmem:s31], [sflag:$0x1] =	stream.indirect_vreg.gather [hbm4b:s5+s3], $0x80, v3, vm0, $0xb8;
	[tilespmem:$0xA080] =	vst v63  }
0x10d: {  	_ = 	snop  }
0x10e: {  	[tilespmem:s1], [sflag:$0x1] =	stream.indirect_vreg.gather [hbm4b:s6+s3], $0x80, v3, vm0, $0xb8;
	[tilespmem:$0xA080] =	vst v63  }
0x10f: {  	_ = 	snop  }
0x110: {  	[tilespmem:s0], [sflag:$0x1] =	stream.indirect_vreg.gather [hbm4b:s7+s3], $0x80, v3, vm0, $0xb8;
	[tilespmem:$0xA080] =	vst v63  }
0x111: {  	v3 =	vld.msk [tilespmem:$0x20], $0xff;
	_ =	sdelay $0x4  }
0x112: {  	v63 =	vshll.u32 v3, $0x3  }
0x113: {  	v3 =	vand.u32 $0x7, v3;
	v4 =	vand.u32 $0xFFFFFFC0, v63  }
0x114: {  	v3 =	vor.u32 v3, v4  }
0x115: {  	v3 =	vperm.xlane v3, v0;
	_ =	sdelay $0x1  }
0x116: {  	v3 =	vadd.s32 v1, v3;
	_ =	sdelay $0x4  }
0x117: {  	[tilespmem:s9], [sflag:$0x1] =	stream.indirect_vreg.gather [hbm4b:s2+s3], $0x80, v3, vm0, $0xb8;
	[tilespmem:$0xA080] =	vst v63  }
0x118: {  	_ = 	snop  }
0x119: {  	[tilespmem:s10], [sflag:$0x1] =	stream.indirect_vreg.gather [hbm4b:s5+s3], $0x80, v3, vm0, $0xb8;
	[tilespmem:$0xA080] =	vst v63  }
0x11a: {  	_ = 	snop  }
0x11b: {  	[tilespmem:s11], [sflag:$0x1] =	stream.indirect_vreg.gather [hbm4b:s6+s3], $0x80, v3, vm0, $0xb8;
	[tilespmem:$0xA080] =	vst v63  }
0x11c: {  	_ = 	snop  }
0x11d: {  	[tilespmem:s12], [sflag:$0x1] =	stream.indirect_vreg.gather [hbm4b:s7+s3], $0x80, v3, vm0, $0xb8;
	[tilespmem:$0xA080] =	vst v63  }
0x11e: {  	_ =	swait.ge [sflag:s13], $0xA000  }
0x11f: {  	[sflag:s13] =	ssyncset.done $0x0  }
.Ltmp3:
0x120: {  	s14 =	rddreg [dreg:$0x8];
	[sflag:s13] =	ssyncadd.s32 $0xFFFF6000;
	(pc) =	sbr.rel .LBB2_3-.Ltmp3, $4  }
0x121: {  	[hbm4b:s14+s3] =	stream.linear.scatter [tilespmem:s17], [sflag:$0x2], $0xA000, $0x38;
	[tilespmem:$0xA080] =	vst v63  }
0x122: {  	_ =	swait.ge [sflag:s16], $0xA000  }
0x123: {  	[sflag:s16] =	ssyncset.done $0x0  }
0x124: {  	[sflag:s16] =	ssyncadd.s32 $0xFFFF6000  }
.LBB2_4:
0x125: {  	_ =	sfence.sel $0x180000  }
0x126: {  	[bflag:$0x0] =	sbarrier.arrive $0xFFFF  }
0x127: {  	_ =	strace $0x90000047  }
0x128: {  	s0 =	stileid.u32;
	[bflag:$0x2] =	sbarrier.arrive $0xFFFF  }
0x129: {  	p0 =	sne.s32 s0, $0x0;
	s0 =	rddreg [dreg:$0x2]  }
0x12a: {  	s0 =	sadd.s32 @!p0 $0x100000, s0  }
0x12b: {  	[sflag:s0] =	ssyncadd.tile.s32 @!p0 $0x1;
	_ =	shalt  }
.Lfunc_end2:
_tile_overlayer_lowered:
.L_overlay_start_2:
0x12c: {  	(tag) =	ssettag $0x2  }
0x12d: {  	s0 =	rddreg [dreg:$0x0];
	s2 =	stileid.u32  }
0x12e: {  	s1 =	rddreg [dreg:$0x1];
	p0 =	sne.s32 s2, $0x0  }
0x12f: {  	s3 =	rddreg [dreg:$0x2];
	[bflag:$0x3] =	sbarrier.arrive $0xFFFF;
	s2 =	simm.s32 @!p0 $0x1C02  }
0x130: {  	[timem:s3], [sflag:s2] =	dma.local @!p0 [hbm:s0], s1  }
0x131: {  	s0 =	simm.s32 @!p0 $0x2  }
0x132: {  	_ =	swait.ge @!p0 [sflag:s0], s1  }
0x133: {  	s1 =	ssub.s32 @!p0 $0x0, s1;
	[sflag:s0] =	ssyncset.done @!p0 $0x0  }
0x134: {  	[sflag:s0] =	ssyncadd.s32 @!p0 s1  }
0x135: {  	[bflag:$0x3] =	sbarrier.arrive $0xFFFF  }
0x136: {  	_ =	shalt  }

</sc_bundles>
